<compile_context>
chip_gen: v7x
topology: tpu7x:2x2x1
jax: 0.10.2.dev20260603
libtpu: 0.0.44.dev20260713+nightly
codegen_flags: <defaults>
</compile_context>

<pallas_src>
import functools

import jax
import jax.numpy as jnp
from jax import lax
from jax.experimental import pallas as pl
from jax.experimental.pallas import tpu as pltpu
from jax.experimental.pallas import tpu_sc as plsc

LANES = 16
NBUF = 4


def kernel(inputs, token_table, pos_table):
    B, L = inputs.shape
    V, D = token_table.shape
    idx_t = inputs.T

    info = plsc.get_sparse_core_info()
    NC, NS = info.num_cores, info.num_subcores
    NW = NC * NS
    SW = B // NW
    mesh = plsc.VectorSubcoreMesh(core_axis_name="c", subcore_axis_name="s")

    @functools.partial(
        pl.kernel,
        mesh=mesh,
        compiler_params=pltpu.CompilerParams(
            use_tc_tiling_on_sc=False, needs_layout_passes=False),
        out_type=jax.ShapeDtypeStruct((L, D // 8, B // SW, 8 * SW), jnp.float32),
        scratch_types=[
            pltpu.VMEM((L, SW), jnp.int32),
            pltpu.VMEM((L, D), jnp.float32),
        ] + [pltpu.VMEM((SW, D), jnp.float32) for _ in range(NBUF)]
          + [pltpu.VMEM((D // 8, 8 * SW), jnp.float32) for _ in range(NBUF)]
          + [pltpu.SemaphoreType.DMA for _ in range(2 * NBUF)],
    )
    def k(idx_hbm, tab_hbm, pos_hbm, out_hbm, idx_v, pos_v, *bufs):
        rbufs = bufs[0:NBUF]
        tbufs = bufs[NBUF:2 * NBUF]
        gsems = bufs[2 * NBUF:3 * NBUF]
        osems = bufs[3 * NBUF:4 * NBUF]
        wid = lax.axis_index("s") * NC + lax.axis_index("c")
        col0 = wid * SW
        pltpu.sync_copy(idx_hbm.at[:, pl.ds(col0, SW)], idx_v)
        pltpu.sync_copy(pos_hbm, pos_v)

        def gather_start(l, b):
            pltpu.async_copy(tab_hbm.at[idx_v.at[l]], rbufs[b], gsems[b])

        def gather_wait(l, b):
            pltpu.make_async_copy(
                tab_hbm.at[idx_v.at[l]], rbufs[b], gsems[b]).wait()

        def out_start(l, b):
            pltpu.async_copy(tbufs[b], out_hbm.at[l, :, wid], osems[b])

        def out_wait(l, b):
            pltpu.make_async_copy(
                tbufs[b], out_hbm.at[l, :, wid], osems[b]).wait()

        for b in range(NBUF):
            gather_start(b, b)

        n_iter = L // NBUF
        lane_iota = lax.iota(jnp.int32, LANES)
        cbase = jnp.bitwise_and(lane_iota, 7) * SW
        dtbase = lax.shift_right_logical(lane_iota, 3)

        def iter_body(i, carry):
            for b in range(NBUF):
                l = i * NBUF + b
                gather_wait(l, b)

                @pl.when(i >= 1)
                def _():
                    out_wait(l - NBUF, b)

                rbuf, tbuf = rbufs[b], tbufs[b]
                pvs = [pos_v[l, pl.ds(j * LANES, LANES)] for j in range(D // LANES)]

                @plsc.parallel_loop(0, SW, unroll=4)
                def r_body(r):
                    ridx = jnp.bitwise_and(lane_iota + r, SW - 1)
                    cidx = cbase + ridx
                    for j in range(D // LANES):
                        didx = lane_iota + (j * LANES)
                        vals = plsc.load_gather(rbuf, [ridx, didx]) + pvs[j]
                        plsc.store_scatter(tbuf, [dtbase + 2 * j, cidx], vals)
                out_start(l, b)

                @pl.when(i < n_iter - 1)
                def _():
                    gather_start(l + NBUF, b)

            return carry

        lax.fori_loop(0, n_iter, iter_body, 0)
        for b in range(NBUF):
            out_wait(L - NBUF + b, b)

    out4 = k(idx_t, token_table, pos_table)
    q5 = out4.reshape(L, D // 8, B // SW, 8, SW)
    q6 = jnp.transpose(q5, (0, 1, 3, 2, 4))
    q = q6.reshape(L, D, B)
    return jnp.transpose(q, (2, 0, 1))

# --- scband reference (transcript-rebuilt; emitter-appended) ---
"""Pipeline reference for scband-positional-embedding-51659866636745 (READ-ONLY COPY).

The authoritative reference and input builder live on the scoring server;
editing this copy changes nothing except your own understanding.
"""

import jax, jax.numpy as jnp
import numpy as np

SEQ_LEN = 200
VOCAB = 100000
EMBED = 64
BATCH = 4096

def setup_inputs(seed: int = 0) -> dict:
    key = jax.random.key(seed)
    k1, k2, k3 = jax.random.split(key, 3)
    inputs = jax.random.randint(k1, (BATCH, SEQ_LEN), 0, VOCAB, dtype=jnp.int64 if jax.config.read('jax_enable_x64') else jnp.int32)
    token_table = jax.random.normal(k2, (VOCAB, EMBED), dtype=jnp.float32) * 0.02
    pos_table = jax.random.normal(k3, (SEQ_LEN, EMBED), dtype=jnp.float32) * 0.02
    return {"inputs": inputs, "token_table": token_table, "pos_table": pos_table}

def reference(inputs, token_table, pos_table):
    # token embedding lookup: gather rows from the token table
    embedded_tokens = jnp.take(token_table, inputs, axis=0)  # [B, L, D]
    # positional embedding lookup over 0..L-1
    positions = jnp.arange(inputs.shape[-1])
    embedded_positions = jnp.take(pos_table, positions, axis=0)  # [L, D]
    return embedded_tokens + embedded_positions[None, :, :]

if __name__ == "__main__":
    import jax
    _d = setup_inputs()
    print(jax.jit(kernel)(*tuple(_d.values())))

</pallas_src>

<mosaic_0001>
#map = affine_map<(d0, d1) -> (0, 0)>
#map1 = affine_map<(d0, d1) -> (0, 0, 0, 0)>
module attributes {stable_mosaic.version = 14 : i64} {
  func.func @k(%arg0: i32, %arg1: i32, %arg2: memref<200x4096xi32, #tpu.memory_space<hbm>>, %arg3: memref<100000x64xf32, #tpu.memory_space<hbm>>, %arg4: memref<200x64xf32, #tpu.memory_space<hbm>>, %arg5: memref<200x8x32x1024xf32, #tpu.memory_space<hbm>>, %arg6: memref<200x128xi32, #tpu.memory_space<vmem>>, %arg7: memref<200x64xf32, #tpu.memory_space<vmem>>, %arg8: memref<128x64xf32, #tpu.memory_space<vmem>>, %arg9: memref<128x64xf32, #tpu.memory_space<vmem>>, %arg10: memref<128x64xf32, #tpu.memory_space<vmem>>, %arg11: memref<128x64xf32, #tpu.memory_space<vmem>>, %arg12: memref<8x1024xf32, #tpu.memory_space<vmem>>, %arg13: memref<8x1024xf32, #tpu.memory_space<vmem>>, %arg14: memref<8x1024xf32, #tpu.memory_space<vmem>>, %arg15: memref<8x1024xf32, #tpu.memory_space<vmem>>, %arg16: memref<!tpu.dma_semaphore, #tpu.memory_space<semaphore_mem>>, %arg17: memref<!tpu.dma_semaphore, #tpu.memory_space<semaphore_mem>>, %arg18: memref<!tpu.dma_semaphore, #tpu.memory_space<semaphore_mem>>, %arg19: memref<!tpu.dma_semaphore, #tpu.memory_space<semaphore_mem>>, %arg20: memref<!tpu.dma_semaphore, #tpu.memory_space<semaphore_mem>>, %arg21: memref<!tpu.dma_semaphore, #tpu.memory_space<semaphore_mem>>, %arg22: memref<!tpu.dma_semaphore, #tpu.memory_space<semaphore_mem>>, %arg23: memref<!tpu.dma_semaphore, #tpu.memory_space<semaphore_mem>>) attributes {dimension_semantics = [#tpu.dimension_semantics<core_parallel>, #tpu.dimension_semantics<subcore_parallel>], iteration_bounds = array<i64: 2, 16>, scalar_prefetch = 0 : i64, scratch_operands = 18 : i64, tpu.core_type = #tpu.core_type<sc_vector_subcore>, window_params = [{transform_indices = #map}, {transform_indices = #map}, {transform_indices = #map}, {transform_indices = #map1}]} {
    %mul3A = arith.constant 2 : i32
    %mul3A_0 = arith.muli %arg1, %mul3A : i32
    %add3A = arith.addi %mul3A_0, %arg0 : i32
    %mul3A_1 = arith.constant 128 : i32
    %mul3A_2 = arith.muli %add3A, %mul3A_1 : i32
    "tpu.region"() ({
      %run_scoped3A = tpu.sem_alloc : memref<!tpu.dma_semaphore, #tpu.memory_space<semaphore_mem>>
      %dma_start3A_77 = arith.constant 0 : i32
      %dma_start3A_78 = tpu.memref_slice %arg2[%dma_start3A_77, %mul3A_2] : memref<200x4096xi32, #tpu.memory_space<hbm>> -> memref<200x128xi32, #tpu.memory_space<hbm>>
      %dma_start3A_79 = arith.constant 0 : i32
      %dma_start3A_80 = tpu.memref_slice %arg2[%dma_start3A_79, %mul3A_2] : memref<200x4096xi32, #tpu.memory_space<hbm>> -> memref<200x128xi32, #tpu.memory_space<hbm>>
      tpu.enqueue_dma source(%dma_start3A_80 : memref<200x128xi32, #tpu.memory_space<hbm>>) target(%arg6 : memref<200x128xi32, #tpu.memory_space<vmem>>) target_semaphore(%run_scoped3A : memref<!tpu.dma_semaphore, #tpu.memory_space<semaphore_mem>>)
      %dma_wait3A_81 = arith.constant 0 : i32
      %dma_wait3A_82 = tpu.memref_slice %arg2[%dma_wait3A_81, %mul3A_2] : memref<200x4096xi32, #tpu.memory_space<hbm>> -> memref<200x128xi32, #tpu.memory_space<hbm>>
      %dma_wait3A_83 = arith.constant 0 : i32
      %dma_wait3A_84 = tpu.memref_slice %arg2[%dma_wait3A_83, %mul3A_2] : memref<200x4096xi32, #tpu.memory_space<hbm>> -> memref<200x128xi32, #tpu.memory_space<hbm>>
      tpu.wait_dma2 semaphore(%run_scoped3A : memref<!tpu.dma_semaphore, #tpu.memory_space<semaphore_mem>>) src(%dma_wait3A_84 : memref<200x128xi32, #tpu.memory_space<hbm>>) dst(%arg6 : memref<200x128xi32, #tpu.memory_space<vmem>>)
      tpu.yield
    }) : () -> ()
    "tpu.region"() ({
      %run_scoped3A = tpu.sem_alloc : memref<!tpu.dma_semaphore, #tpu.memory_space<semaphore_mem>>
      tpu.enqueue_dma source(%arg4 : memref<200x64xf32, #tpu.memory_space<hbm>>) target(%arg7 : memref<200x64xf32, #tpu.memory_space<vmem>>) target_semaphore(%run_scoped3A : memref<!tpu.dma_semaphore, #tpu.memory_space<semaphore_mem>>)
      tpu.wait_dma2 semaphore(%run_scoped3A : memref<!tpu.dma_semaphore, #tpu.memory_space<semaphore_mem>>) src(%arg4 : memref<200x64xf32, #tpu.memory_space<hbm>>) dst(%arg7 : memref<200x64xf32, #tpu.memory_space<vmem>>)
      tpu.yield
    }) : () -> ()
    %dma_start3A = arith.constant 0 : i32
    %dma_start3A_3 = arith.constant 0 : i32
    %dma_start3A_4 = tpu.memref_slice %arg6[%dma_start3A, %dma_start3A_3] : memref<200x128xi32, #tpu.memory_space<vmem>> -> memref<1x128xi32, #tpu.memory_space<vmem>>
    %dma_start3A_5 = tpu.memref_squeeze %dma_start3A_4 : memref<1x128xi32, #tpu.memory_space<vmem>> -> memref<128xi32, #tpu.memory_space<vmem>>
    %dma_start3A_6 = arith.constant 0 : i32
    %dma_start3A_7 = arith.constant 0 : i32
    %dma_start3A_8 = tpu.memref_slice %arg3[%dma_start3A_6, %dma_start3A_7] : memref<100000x64xf32, #tpu.memory_space<hbm>> -> memref<100000x64xf32, #tpu.memory_space<hbm>>
    tpu.enqueue_indirect_dma source(%dma_start3A_8 : memref<100000x64xf32, #tpu.memory_space<hbm>>) target(%arg8 : memref<128x64xf32, #tpu.memory_space<vmem>>) offsets(%dma_start3A_5 : memref<128xi32, #tpu.memory_space<vmem>>) semaphore(%arg16 : memref<!tpu.dma_semaphore, #tpu.memory_space<semaphore_mem>>)
    %dma_start3A_9 = arith.constant 1 : i32
    %dma_start3A_10 = arith.constant 0 : i32
    %dma_start3A_11 = tpu.memref_slice %arg6[%dma_start3A_9, %dma_start3A_10] : memref<200x128xi32, #tpu.memory_space<vmem>> -> memref<1x128xi32, #tpu.memory_space<vmem>>
    %dma_start3A_12 = tpu.memref_squeeze %dma_start3A_11 : memref<1x128xi32, #tpu.memory_space<vmem>> -> memref<128xi32, #tpu.memory_space<vmem>>
    %dma_start3A_13 = arith.constant 0 : i32
    %dma_start3A_14 = arith.constant 0 : i32
    %dma_start3A_15 = tpu.memref_slice %arg3[%dma_start3A_13, %dma_start3A_14] : memref<100000x64xf32, #tpu.memory_space<hbm>> -> memref<100000x64xf32, #tpu.memory_space<hbm>>
    tpu.enqueue_indirect_dma source(%dma_start3A_15 : memref<100000x64xf32, #tpu.memory_space<hbm>>) target(%arg9 : memref<128x64xf32, #tpu.memory_space<vmem>>) offsets(%dma_start3A_12 : memref<128xi32, #tpu.memory_space<vmem>>) semaphore(%arg17 : memref<!tpu.dma_semaphore, #tpu.memory_space<semaphore_mem>>)
    %dma_start3A_16 = arith.constant 2 : i32
    %dma_start3A_17 = arith.constant 0 : i32
    %dma_start3A_18 = tpu.memref_slice %arg6[%dma_start3A_16, %dma_start3A_17] : memref<200x128xi32, #tpu.memory_space<vmem>> -> memref<1x128xi32, #tpu.memory_space<vmem>>
    %dma_start3A_19 = tpu.memref_squeeze %dma_start3A_18 : memref<1x128xi32, #tpu.memory_space<vmem>> -> memref<128xi32, #tpu.memory_space<vmem>>
    %dma_start3A_20 = arith.constant 0 : i32
    %dma_start3A_21 = arith.constant 0 : i32
    %dma_start3A_22 = tpu.memref_slice %arg3[%dma_start3A_20, %dma_start3A_21] : memref<100000x64xf32, #tpu.memory_space<hbm>> -> memref<100000x64xf32, #tpu.memory_space<hbm>>
    tpu.enqueue_indirect_dma source(%dma_start3A_22 : memref<100000x64xf32, #tpu.memory_space<hbm>>) target(%arg10 : memref<128x64xf32, #tpu.memory_space<vmem>>) offsets(%dma_start3A_19 : memref<128xi32, #tpu.memory_space<vmem>>) semaphore(%arg18 : memref<!tpu.dma_semaphore, #tpu.memory_space<semaphore_mem>>)
    %dma_start3A_23 = arith.constant 3 : i32
    %dma_start3A_24 = arith.constant 0 : i32
    %dma_start3A_25 = tpu.memref_slice %arg6[%dma_start3A_23, %dma_start3A_24] : memref<200x128xi32, #tpu.memory_space<vmem>> -> memref<1x128xi32, #tpu.memory_space<vmem>>
    %dma_start3A_26 = tpu.memref_squeeze %dma_start3A_25 : memref<1x128xi32, #tpu.memory_space<vmem>> -> memref<128xi32, #tpu.memory_space<vmem>>
    %dma_start3A_27 = arith.constant 0 : i32
    %dma_start3A_28 = arith.constant 0 : i32
    %dma_start3A_29 = tpu.memref_slice %arg3[%dma_start3A_27, %dma_start3A_28] : memref<100000x64xf32, #tpu.memory_space<hbm>> -> memref<100000x64xf32, #tpu.memory_space<hbm>>
    tpu.enqueue_indirect_dma source(%dma_start3A_29 : memref<100000x64xf32, #tpu.memory_space<hbm>>) target(%arg11 : memref<128x64xf32, #tpu.memory_space<vmem>>) offsets(%dma_start3A_26 : memref<128xi32, #tpu.memory_space<vmem>>) semaphore(%arg19 : memref<!tpu.dma_semaphore, #tpu.memory_space<semaphore_mem>>)
    %iota3A = tpu.iota {dimensions = array<i32: 0>} : vector<16xi32>
    %and3A = arith.constant 7 : i32
    %and3A_30 = vector.broadcast %and3A : i32 to vector<16xi32>
    %and3A_31 = arith.andi %iota3A, %and3A_30 : vector<16xi32>
    %mul3A_32 = arith.constant 128 : i32
    %mul3A_33 = vector.broadcast %mul3A_32 : i32 to vector<16xi32>
    %mul3A_34 = arith.muli %and3A_31, %mul3A_33 : vector<16xi32>
    %shift_right_logical3A = arith.constant 3 : i32
    %shift_right_logical3A_35 = vector.broadcast %shift_right_logical3A : i32 to vector<16xi32>
    %shift_right_logical3A_36 = arith.shrui %iota3A, %shift_right_logical3A_35 : vector<16xi32>
    %scan3A = arith.constant 0 : i32
    %scan3A_37 = arith.constant 0 : i32
    %scan3A_38 = arith.constant 50 : i32
    %scan3A_39 = arith.addi %scan3A_37, %scan3A_38 : i32
    %scan3A_40 = arith.constant 1 : i32
    scf.for %scan3A_77 = %scan3A_37 to %scan3A_39 step %scan3A_40  : i32 {
      %mul3A_78 = arith.constant 4 : i32
      %mul3A_79 = arith.muli %scan3A_77, %mul3A_78 : i32
      %add3A_80 = arith.constant 0 : i32
      %add3A_81 = arith.addi %mul3A_79, %add3A_80 : i32
      %dma_wait3A_82 = arith.constant 0 : i32
      %dma_wait3A_83 = tpu.memref_slice %arg6[%add3A_81, %dma_wait3A_82] : memref<200x128xi32, #tpu.memory_space<vmem>> -> memref<1x128xi32, #tpu.memory_space<vmem>>
      %dma_wait3A_84 = tpu.memref_squeeze %dma_wait3A_83 : memref<1x128xi32, #tpu.memory_space<vmem>> -> memref<128xi32, #tpu.memory_space<vmem>>
      %dma_wait3A_85 = arith.constant 0 : i32
      %dma_wait3A_86 = arith.constant 0 : i32
      %dma_wait3A_87 = tpu.memref_slice %arg3[%dma_wait3A_85, %dma_wait3A_86] : memref<100000x64xf32, #tpu.memory_space<hbm>> -> memref<100000x64xf32, #tpu.memory_space<hbm>>
      tpu.wait_indirect_dma semaphore(%arg16 : memref<!tpu.dma_semaphore, #tpu.memory_space<semaphore_mem>>) src(%dma_wait3A_87 : memref<100000x64xf32, #tpu.memory_space<hbm>>) dst(%arg8 : memref<128x64xf32, #tpu.memory_space<vmem>>)
      %ge3A = arith.constant 1 : i32
      %ge3A_88 = arith.cmpi sge, %scan3A_77, %ge3A : i32
      %convert_element_type3A = arith.extui %ge3A_88 : i1 to i32
      %cond3A = arith.constant 0 : i32
      %cond3A_89 = arith.cmpi ne, %convert_element_type3A, %cond3A : i32
      scf.if %cond3A_89 {
        %sub3A = arith.constant 4 : i32
        %sub3A_244 = arith.subi %add3A_81, %sub3A : i32
        %dma_wait3A_245 = arith.constant 0 : i32
        %dma_wait3A_246 = arith.constant 0 : i32
        %dma_wait3A_247 = tpu.memref_slice %arg5[%sub3A_244, %dma_wait3A_245, %add3A, %dma_wait3A_246] : memref<200x8x32x1024xf32, #tpu.memory_space<hbm>> -> memref<1x8x1x1024xf32, #tpu.memory_space<hbm>>
        %dma_wait3A_248 = tpu.memref_squeeze %dma_wait3A_247 : memref<1x8x1x1024xf32, #tpu.memory_space<hbm>> -> memref<8x1024xf32, #tpu.memory_space<hbm>>
        %dma_wait3A_249 = arith.constant 0 : i32
        %dma_wait3A_250 = arith.constant 0 : i32
        %dma_wait3A_251 = tpu.memref_slice %arg5[%sub3A_244, %dma_wait3A_249, %add3A, %dma_wait3A_250] : memref<200x8x32x1024xf32, #tpu.memory_space<hbm>> -> memref<1x8x1x1024xf32, #tpu.memory_space<hbm>>
        %dma_wait3A_252 = tpu.memref_squeeze %dma_wait3A_251 : memref<1x8x1x1024xf32, #tpu.memory_space<hbm>> -> memref<8x1024xf32, #tpu.memory_space<hbm>>
        tpu.wait_dma2 semaphore(%arg20 : memref<!tpu.dma_semaphore, #tpu.memory_space<semaphore_mem>>) src(%arg12 : memref<8x1024xf32, #tpu.memory_space<vmem>>) dst(%dma_wait3A_252 : memref<8x1024xf32, #tpu.memory_space<hbm>>)
      } else {
      }
      %get3A = arith.index_cast %add3A_81 : i32 to index
      %get3A_90 = arith.constant 0 : index
      %get3A_91 = tpu.vector_load %arg7[%get3A, %get3A_90] {strides = array<i32>} : memref<200x64xf32, #tpu.memory_space<vmem>>, vector<16xf32>,
      %get3A_92 = arith.index_cast %add3A_81 : i32 to index
      %get3A_93 = arith.constant 16 : index
      %get3A_94 = tpu.vector_load %arg7[%get3A_92, %get3A_93] {strides = array<i32>} : memref<200x64xf32, #tpu.memory_space<vmem>>, vector<16xf32>,
      %get3A_95 = arith.index_cast %add3A_81 : i32 to index
      %get3A_96 = arith.constant 32 : index
      %get3A_97 = tpu.vector_load %arg7[%get3A_95, %get3A_96] {strides = array<i32>} : memref<200x64xf32, #tpu.memory_space<vmem>>, vector<16xf32>,
      %get3A_98 = arith.index_cast %add3A_81 : i32 to index
      %get3A_99 = arith.constant 48 : index
      %get3A_100 = tpu.vector_load %arg7[%get3A_98, %get3A_99] {strides = array<i32>} : memref<200x64xf32, #tpu.memory_space<vmem>>, vector<16xf32>,
      %parallel_loop3A = arith.constant 0 : i32
      %parallel_loop3A_101 = arith.constant 128 : i32
      %parallel_loop3A_102 = arith.constant 1 : i32
      scf.for %parallel_loop3A_244 = %parallel_loop3A to %parallel_loop3A_101 step %parallel_loop3A_102  : i32 {
        %parallel_loop3A_245 = vector.broadcast %parallel_loop3A_244 : i32 to vector<16xi32>
        %parallel_loop3A_246 = arith.addi %iota3A, %parallel_loop3A_245 : vector<16xi32>
        %parallel_loop3A_247 = arith.constant 127 : i32
        %parallel_loop3A_248 = vector.broadcast %parallel_loop3A_247 : i32 to vector<16xi32>
        %parallel_loop3A_249 = arith.andi %parallel_loop3A_246, %parallel_loop3A_248 : vector<16xi32>
        %parallel_loop3A_250 = arith.addi %mul3A_34, %parallel_loop3A_249 : vector<16xi32>
        %parallel_loop3A_251 = arith.constant 0 : i32
        %parallel_loop3A_252 = vector.broadcast %parallel_loop3A_251 : i32 to vector<16xi32>
        %parallel_loop3A_253 = arith.addi %iota3A, %parallel_loop3A_252 : vector<16xi32>
        %parallel_loop3A_254 = tpu.vector_load_idx %arg8[%parallel_loop3A_249, %parallel_loop3A_253] : memref<128x64xf32, #tpu.memory_space<vmem>>[vector<16xi32>, vector<16xi32>], vector<16xf32>,
        %parallel_loop3A_255 = arith.addf %parallel_loop3A_254, %get3A_91 : vector<16xf32>
        %parallel_loop3A_256 = arith.constant 0 : i32
        %parallel_loop3A_257 = vector.broadcast %parallel_loop3A_256 : i32 to vector<16xi32>
        %parallel_loop3A_258 = arith.addi %shift_right_logical3A_36, %parallel_loop3A_257 : vector<16xi32>
        tpu.vector_store_idx %arg12[%parallel_loop3A_258, %parallel_loop3A_250], %parallel_loop3A_255 : memref<8x1024xf32, #tpu.memory_space<vmem>>[vector<16xi32>, vector<16xi32>], vector<16xf32>,
        %parallel_loop3A_259 = arith.constant 16 : i32
        %parallel_loop3A_260 = vector.broadcast %parallel_loop3A_259 : i32 to vector<16xi32>
        %parallel_loop3A_261 = arith.addi %iota3A, %parallel_loop3A_260 : vector<16xi32>
        %parallel_loop3A_262 = tpu.vector_load_idx %arg8[%parallel_loop3A_249, %parallel_loop3A_261] : memref<128x64xf32, #tpu.memory_space<vmem>>[vector<16xi32>, vector<16xi32>], vector<16xf32>,
        %parallel_loop3A_263 = arith.addf %parallel_loop3A_262, %get3A_94 : vector<16xf32>
        %parallel_loop3A_264 = arith.constant 2 : i32
        %parallel_loop3A_265 = vector.broadcast %parallel_loop3A_264 : i32 to vector<16xi32>
        %parallel_loop3A_266 = arith.addi %shift_right_logical3A_36, %parallel_loop3A_265 : vector<16xi32>
        tpu.vector_store_idx %arg12[%parallel_loop3A_266, %parallel_loop3A_250], %parallel_loop3A_263 : memref<8x1024xf32, #tpu.memory_space<vmem>>[vector<16xi32>, vector<16xi32>], vector<16xf32>,
        %parallel_loop3A_267 = arith.constant 32 : i32
        %parallel_loop3A_268 = vector.broadcast %parallel_loop3A_267 : i32 to vector<16xi32>
        %parallel_loop3A_269 = arith.addi %iota3A, %parallel_loop3A_268 : vector<16xi32>
        %parallel_loop3A_270 = tpu.vector_load_idx %arg8[%parallel_loop3A_249, %parallel_loop3A_269] : memref<128x64xf32, #tpu.memory_space<vmem>>[vector<16xi32>, vector<16xi32>], vector<16xf32>,
        %parallel_loop3A_271 = arith.addf %parallel_loop3A_270, %get3A_97 : vector<16xf32>
        %parallel_loop3A_272 = arith.constant 4 : i32
        %parallel_loop3A_273 = vector.broadcast %parallel_loop3A_272 : i32 to vector<16xi32>
        %parallel_loop3A_274 = arith.addi %shift_right_logical3A_36, %parallel_loop3A_273 : vector<16xi32>
        tpu.vector_store_idx %arg12[%parallel_loop3A_274, %parallel_loop3A_250], %parallel_loop3A_271 : memref<8x1024xf32, #tpu.memory_space<vmem>>[vector<16xi32>, vector<16xi32>], vector<16xf32>,
        %parallel_loop3A_275 = arith.constant 48 : i32
        %parallel_loop3A_276 = vector.broadcast %parallel_loop3A_275 : i32 to vector<16xi32>
        %parallel_loop3A_277 = arith.addi %iota3A, %parallel_loop3A_276 : vector<16xi32>
        %parallel_loop3A_278 = tpu.vector_load_idx %arg8[%parallel_loop3A_249, %parallel_loop3A_277] : memref<128x64xf32, #tpu.memory_space<vmem>>[vector<16xi32>, vector<16xi32>], vector<16xf32>,
        %parallel_loop3A_279 = arith.addf %parallel_loop3A_278, %get3A_100 : vector<16xf32>
        %parallel_loop3A_280 = arith.constant 6 : i32
        %parallel_loop3A_281 = vector.broadcast %parallel_loop3A_280 : i32 to vector<16xi32>
        %parallel_loop3A_282 = arith.addi %shift_right_logical3A_36, %parallel_loop3A_281 : vector<16xi32>
        tpu.vector_store_idx %arg12[%parallel_loop3A_282, %parallel_loop3A_250], %parallel_loop3A_279 : memref<8x1024xf32, #tpu.memory_space<vmem>>[vector<16xi32>, vector<16xi32>], vector<16xf32>,
      } {sc.loop_unroll_factor = 4 : i64, sc.parallel_access}
      %dma_start3A_103 = arith.constant 0 : i32
      %dma_start3A_104 = arith.constant 0 : i32
      %dma_start3A_105 = tpu.memref_slice %arg5[%add3A_81, %dma_start3A_103, %add3A, %dma_start3A_104] : memref<200x8x32x1024xf32, #tpu.memory_space<hbm>> -> memref<1x8x1x1024xf32, #tpu.memory_space<hbm>>
      %dma_start3A_106 = tpu.memref_squeeze %dma_start3A_105 : memref<1x8x1x1024xf32, #tpu.memory_space<hbm>> -> memref<8x1024xf32, #tpu.memory_space<hbm>>
      %dma_start3A_107 = arith.constant 0 : i32
      %dma_start3A_108 = arith.constant 0 : i32
      %dma_start3A_109 = tpu.memref_slice %arg5[%add3A_81, %dma_start3A_107, %add3A, %dma_start3A_108] : memref<200x8x32x1024xf32, #tpu.memory_space<hbm>> -> memref<1x8x1x1024xf32, #tpu.memory_space<hbm>>
      %dma_start3A_110 = tpu.memref_squeeze %dma_start3A_109 : memref<1x8x1x1024xf32, #tpu.memory_space<hbm>> -> memref<8x1024xf32, #tpu.memory_space<hbm>>
      tpu.enqueue_dma source(%arg12 : memref<8x1024xf32, #tpu.memory_space<vmem>>) target(%dma_start3A_110 : memref<8x1024xf32, #tpu.memory_space<hbm>>) target_semaphore(%arg20 : memref<!tpu.dma_semaphore, #tpu.memory_space<semaphore_mem>>)
      %lt3A = arith.constant 49 : i32
      %lt3A_111 = arith.cmpi slt, %scan3A_77, %lt3A : i32
      %convert_element_type3A_112 = arith.extui %lt3A_111 : i1 to i32
      %cond3A_113 = arith.constant 0 : i32
      %cond3A_114 = arith.cmpi ne, %convert_element_type3A_112, %cond3A_113 : i32
      scf.if %cond3A_114 {
        %add3A_244 = arith.constant 4 : i32
        %add3A_245 = arith.addi %add3A_81, %add3A_244 : i32
        %dma_start3A_246 = arith.constant 0 : i32
        %dma_start3A_247 = tpu.memref_slice %arg6[%add3A_245, %dma_start3A_246] : memref<200x128xi32, #tpu.memory_space<vmem>> -> memref<1x128xi32, #tpu.memory_space<vmem>>
        %dma_start3A_248 = tpu.memref_squeeze %dma_start3A_247 : memref<1x128xi32, #tpu.memory_space<vmem>> -> memref<128xi32, #tpu.memory_space<vmem>>
        %dma_start3A_249 = arith.constant 0 : i32
        %dma_start3A_250 = arith.constant 0 : i32
        %dma_start3A_251 = tpu.memref_slice %arg3[%dma_start3A_249, %dma_start3A_250] : memref<100000x64xf32, #tpu.memory_space<hbm>> -> memref<100000x64xf32, #tpu.memory_space<hbm>>
        tpu.enqueue_indirect_dma source(%dma_start3A_251 : memref<100000x64xf32, #tpu.memory_space<hbm>>) target(%arg8 : memref<128x64xf32, #tpu.memory_space<vmem>>) offsets(%dma_start3A_248 : memref<128xi32, #tpu.memory_space<vmem>>) semaphore(%arg16 : memref<!tpu.dma_semaphore, #tpu.memory_space<semaphore_mem>>)
      } else {
      }
      %mul3A_115 = arith.constant 4 : i32
      %mul3A_116 = arith.muli %scan3A_77, %mul3A_115 : i32
      %add3A_117 = arith.constant 1 : i32
      %add3A_118 = arith.addi %mul3A_116, %add3A_117 : i32
      %dma_wait3A_119 = arith.constant 0 : i32
      %dma_wait3A_120 = tpu.memref_slice %arg6[%add3A_118, %dma_wait3A_119] : memref<200x128xi32, #tpu.memory_space<vmem>> -> memref<1x128xi32, #tpu.memory_space<vmem>>
      %dma_wait3A_121 = tpu.memref_squeeze %dma_wait3A_120 : memref<1x128xi32, #tpu.memory_space<vmem>> -> memref<128xi32, #tpu.memory_space<vmem>>
      %dma_wait3A_122 = arith.constant 0 : i32
      %dma_wait3A_123 = arith.constant 0 : i32
      %dma_wait3A_124 = tpu.memref_slice %arg3[%dma_wait3A_122, %dma_wait3A_123] : memref<100000x64xf32, #tpu.memory_space<hbm>> -> memref<100000x64xf32, #tpu.memory_space<hbm>>
      tpu.wait_indirect_dma semaphore(%arg17 : memref<!tpu.dma_semaphore, #tpu.memory_space<semaphore_mem>>) src(%dma_wait3A_124 : memref<100000x64xf32, #tpu.memory_space<hbm>>) dst(%arg9 : memref<128x64xf32, #tpu.memory_space<vmem>>)
      %ge3A_125 = arith.constant 1 : i32
      %ge3A_126 = arith.cmpi sge, %scan3A_77, %ge3A_125 : i32
      %convert_element_type3A_127 = arith.extui %ge3A_126 : i1 to i32
      %cond3A_128 = arith.constant 0 : i32
      %cond3A_129 = arith.cmpi ne, %convert_element_type3A_127, %cond3A_128 : i32
      scf.if %cond3A_129 {
        %sub3A = arith.constant 4 : i32
        %sub3A_244 = arith.subi %add3A_118, %sub3A : i32
        %dma_wait3A_245 = arith.constant 0 : i32
        %dma_wait3A_246 = arith.constant 0 : i32
        %dma_wait3A_247 = tpu.memref_slice %arg5[%sub3A_244, %dma_wait3A_245, %add3A, %dma_wait3A_246] : memref<200x8x32x1024xf32, #tpu.memory_space<hbm>> -> memref<1x8x1x1024xf32, #tpu.memory_space<hbm>>
        %dma_wait3A_248 = tpu.memref_squeeze %dma_wait3A_247 : memref<1x8x1x1024xf32, #tpu.memory_space<hbm>> -> memref<8x1024xf32, #tpu.memory_space<hbm>>
        %dma_wait3A_249 = arith.constant 0 : i32
        %dma_wait3A_250 = arith.constant 0 : i32
        %dma_wait3A_251 = tpu.memref_slice %arg5[%sub3A_244, %dma_wait3A_249, %add3A, %dma_wait3A_250] : memref<200x8x32x1024xf32, #tpu.memory_space<hbm>> -> memref<1x8x1x1024xf32, #tpu.memory_space<hbm>>
        %dma_wait3A_252 = tpu.memref_squeeze %dma_wait3A_251 : memref<1x8x1x1024xf32, #tpu.memory_space<hbm>> -> memref<8x1024xf32, #tpu.memory_space<hbm>>
        tpu.wait_dma2 semaphore(%arg21 : memref<!tpu.dma_semaphore, #tpu.memory_space<semaphore_mem>>) src(%arg13 : memref<8x1024xf32, #tpu.memory_space<vmem>>) dst(%dma_wait3A_252 : memref<8x1024xf32, #tpu.memory_space<hbm>>)
      } else {
      }
      %get3A_130 = arith.index_cast %add3A_118 : i32 to index
      %get3A_131 = arith.constant 0 : index
      %get3A_132 = tpu.vector_load %arg7[%get3A_130, %get3A_131] {strides = array<i32>} : memref<200x64xf32, #tpu.memory_space<vmem>>, vector<16xf32>,
      %get3A_133 = arith.index_cast %add3A_118 : i32 to index
      %get3A_134 = arith.constant 16 : index
      %get3A_135 = tpu.vector_load %arg7[%get3A_133, %get3A_134] {strides = array<i32>} : memref<200x64xf32, #tpu.memory_space<vmem>>, vector<16xf32>,
      %get3A_136 = arith.index_cast %add3A_118 : i32 to index
      %get3A_137 = arith.constant 32 : index
      %get3A_138 = tpu.vector_load %arg7[%get3A_136, %get3A_137] {strides = array<i32>} : memref<200x64xf32, #tpu.memory_space<vmem>>, vector<16xf32>,
      %get3A_139 = arith.index_cast %add3A_118 : i32 to index
      %get3A_140 = arith.constant 48 : index
      %get3A_141 = tpu.vector_load %arg7[%get3A_139, %get3A_140] {strides = array<i32>} : memref<200x64xf32, #tpu.memory_space<vmem>>, vector<16xf32>,
      %parallel_loop3A_142 = arith.constant 0 : i32
      %parallel_loop3A_143 = arith.constant 128 : i32
      %parallel_loop3A_144 = arith.constant 1 : i32
      scf.for %parallel_loop3A_244 = %parallel_loop3A_142 to %parallel_loop3A_143 step %parallel_loop3A_144  : i32 {
        %parallel_loop3A_245 = vector.broadcast %parallel_loop3A_244 : i32 to vector<16xi32>
        %parallel_loop3A_246 = arith.addi %iota3A, %parallel_loop3A_245 : vector<16xi32>
        %parallel_loop3A_247 = arith.constant 127 : i32
        %parallel_loop3A_248 = vector.broadcast %parallel_loop3A_247 : i32 to vector<16xi32>
        %parallel_loop3A_249 = arith.andi %parallel_loop3A_246, %parallel_loop3A_248 : vector<16xi32>
        %parallel_loop3A_250 = arith.addi %mul3A_34, %parallel_loop3A_249 : vector<16xi32>
        %parallel_loop3A_251 = arith.constant 0 : i32
        %parallel_loop3A_252 = vector.broadcast %parallel_loop3A_251 : i32 to vector<16xi32>
        %parallel_loop3A_253 = arith.addi %iota3A, %parallel_loop3A_252 : vector<16xi32>
        %parallel_loop3A_254 = tpu.vector_load_idx %arg9[%parallel_loop3A_249, %parallel_loop3A_253] : memref<128x64xf32, #tpu.memory_space<vmem>>[vector<16xi32>, vector<16xi32>], vector<16xf32>,
        %parallel_loop3A_255 = arith.addf %parallel_loop3A_254, %get3A_132 : vector<16xf32>
        %parallel_loop3A_256 = arith.constant 0 : i32
        %parallel_loop3A_257 = vector.broadcast %parallel_loop3A_256 : i32 to vector<16xi32>
        %parallel_loop3A_258 = arith.addi %shift_right_logical3A_36, %parallel_loop3A_257 : vector<16xi32>
        tpu.vector_store_idx %arg13[%parallel_loop3A_258, %parallel_loop3A_250], %parallel_loop3A_255 : memref<8x1024xf32, #tpu.memory_space<vmem>>[vector<16xi32>, vector<16xi32>], vector<16xf32>,
        %parallel_loop3A_259 = arith.constant 16 : i32
        %parallel_loop3A_260 = vector.broadcast %parallel_loop3A_259 : i32 to vector<16xi32>
        %parallel_loop3A_261 = arith.addi %iota3A, %parallel_loop3A_260 : vector<16xi32>
        %parallel_loop3A_262 = tpu.vector_load_idx %arg9[%parallel_loop3A_249, %parallel_loop3A_261] : memref<128x64xf32, #tpu.memory_space<vmem>>[vector<16xi32>, vector<16xi32>], vector<16xf32>,
        %parallel_loop3A_263 = arith.addf %parallel_loop3A_262, %get3A_135 : vector<16xf32>
        %parallel_loop3A_264 = arith.constant 2 : i32
        %parallel_loop3A_265 = vector.broadcast %parallel_loop3A_264 : i32 to vector<16xi32>
        %parallel_loop3A_266 = arith.addi %shift_right_logical3A_36, %parallel_loop3A_265 : vector<16xi32>
        tpu.vector_store_idx %arg13[%parallel_loop3A_266, %parallel_loop3A_250], %parallel_loop3A_263 : memref<8x1024xf32, #tpu.memory_space<vmem>>[vector<16xi32>, vector<16xi32>], vector<16xf32>,
        %parallel_loop3A_267 = arith.constant 32 : i32
        %parallel_loop3A_268 = vector.broadcast %parallel_loop3A_267 : i32 to vector<16xi32>
        %parallel_loop3A_269 = arith.addi %iota3A, %parallel_loop3A_268 : vector<16xi32>
        %parallel_loop3A_270 = tpu.vector_load_idx %arg9[%parallel_loop3A_249, %parallel_loop3A_269] : memref<128x64xf32, #tpu.memory_space<vmem>>[vector<16xi32>, vector<16xi32>], vector<16xf32>,
        %parallel_loop3A_271 = arith.addf %parallel_loop3A_270, %get3A_138 : vector<16xf32>
        %parallel_loop3A_272 = arith.constant 4 : i32
        %parallel_loop3A_273 = vector.broadcast %parallel_loop3A_272 : i32 to vector<16xi32>
        %parallel_loop3A_274 = arith.addi %shift_right_logical3A_36, %parallel_loop3A_273 : vector<16xi32>
        tpu.vector_store_idx %arg13[%parallel_loop3A_274, %parallel_loop3A_250], %parallel_loop3A_271 : memref<8x1024xf32, #tpu.memory_space<vmem>>[vector<16xi32>, vector<16xi32>], vector<16xf32>,
        %parallel_loop3A_275 = arith.constant 48 : i32
        %parallel_loop3A_276 = vector.broadcast %parallel_loop3A_275 : i32 to vector<16xi32>
        %parallel_loop3A_277 = arith.addi %iota3A, %parallel_loop3A_276 : vector<16xi32>
        %parallel_loop3A_278 = tpu.vector_load_idx %arg9[%parallel_loop3A_249, %parallel_loop3A_277] : memref<128x64xf32, #tpu.memory_space<vmem>>[vector<16xi32>, vector<16xi32>], vector<16xf32>,
        %parallel_loop3A_279 = arith.addf %parallel_loop3A_278, %get3A_141 : vector<16xf32>
        %parallel_loop3A_280 = arith.constant 6 : i32
        %parallel_loop3A_281 = vector.broadcast %parallel_loop3A_280 : i32 to vector<16xi32>
        %parallel_loop3A_282 = arith.addi %shift_right_logical3A_36, %parallel_loop3A_281 : vector<16xi32>
        tpu.vector_store_idx %arg13[%parallel_loop3A_282, %parallel_loop3A_250], %parallel_loop3A_279 : memref<8x1024xf32, #tpu.memory_space<vmem>>[vector<16xi32>, vector<16xi32>], vector<16xf32>,
      } {sc.loop_unroll_factor = 4 : i64, sc.parallel_access}
      %dma_start3A_145 = arith.constant 0 : i32
      %dma_start3A_146 = arith.constant 0 : i32
      %dma_start3A_147 = tpu.memref_slice %arg5[%add3A_118, %dma_start3A_145, %add3A, %dma_start3A_146] : memref<200x8x32x1024xf32, #tpu.memory_space<hbm>> -> memref<1x8x1x1024xf32, #tpu.memory_space<hbm>>
      %dma_start3A_148 = tpu.memref_squeeze %dma_start3A_147 : memref<1x8x1x1024xf32, #tpu.memory_space<hbm>> -> memref<8x1024xf32, #tpu.memory_space<hbm>>
      %dma_start3A_149 = arith.constant 0 : i32
      %dma_start3A_150 = arith.constant 0 : i32
      %dma_start3A_151 = tpu.memref_slice %arg5[%add3A_118, %dma_start3A_149, %add3A, %dma_start3A_150] : memref<200x8x32x1024xf32, #tpu.memory_space<hbm>> -> memref<1x8x1x1024xf32, #tpu.memory_space<hbm>>
      %dma_start3A_152 = tpu.memref_squeeze %dma_start3A_151 : memref<1x8x1x1024xf32, #tpu.memory_space<hbm>> -> memref<8x1024xf32, #tpu.memory_space<hbm>>
      tpu.enqueue_dma source(%arg13 : memref<8x1024xf32, #tpu.memory_space<vmem>>) target(%dma_start3A_152 : memref<8x1024xf32, #tpu.memory_space<hbm>>) target_semaphore(%arg21 : memref<!tpu.dma_semaphore, #tpu.memory_space<semaphore_mem>>)
      %lt3A_153 = arith.constant 49 : i32
      %lt3A_154 = arith.cmpi slt, %scan3A_77, %lt3A_153 : i32
      %convert_element_type3A_155 = arith.extui %lt3A_154 : i1 to i32
      %cond3A_156 = arith.constant 0 : i32
      %cond3A_157 = arith.cmpi ne, %convert_element_type3A_155, %cond3A_156 : i32
      scf.if %cond3A_157 {
        %add3A_244 = arith.constant 4 : i32
        %add3A_245 = arith.addi %add3A_118, %add3A_244 : i32
        %dma_start3A_246 = arith.constant 0 : i32
        %dma_start3A_247 = tpu.memref_slice %arg6[%add3A_245, %dma_start3A_246] : memref<200x128xi32, #tpu.memory_space<vmem>> -> memref<1x128xi32, #tpu.memory_space<vmem>>
        %dma_start3A_248 = tpu.memref_squeeze %dma_start3A_247 : memref<1x128xi32, #tpu.memory_space<vmem>> -> memref<128xi32, #tpu.memory_space<vmem>>
        %dma_start3A_249 = arith.constant 0 : i32
        %dma_start3A_250 = arith.constant 0 : i32
        %dma_start3A_251 = tpu.memref_slice %arg3[%dma_start3A_249, %dma_start3A_250] : memref<100000x64xf32, #tpu.memory_space<hbm>> -> memref<100000x64xf32, #tpu.memory_space<hbm>>
        tpu.enqueue_indirect_dma source(%dma_start3A_251 : memref<100000x64xf32, #tpu.memory_space<hbm>>) target(%arg9 : memref<128x64xf32, #tpu.memory_space<vmem>>) offsets(%dma_start3A_248 : memref<128xi32, #tpu.memory_space<vmem>>) semaphore(%arg17 : memref<!tpu.dma_semaphore, #tpu.memory_space<semaphore_mem>>)
      } else {
      }
      %mul3A_158 = arith.constant 4 : i32
      %mul3A_159 = arith.muli %scan3A_77, %mul3A_158 : i32
      %add3A_160 = arith.constant 2 : i32
      %add3A_161 = arith.addi %mul3A_159, %add3A_160 : i32
      %dma_wait3A_162 = arith.constant 0 : i32
      %dma_wait3A_163 = tpu.memref_slice %arg6[%add3A_161, %dma_wait3A_162] : memref<200x128xi32, #tpu.memory_space<vmem>> -> memref<1x128xi32, #tpu.memory_space<vmem>>
      %dma_wait3A_164 = tpu.memref_squeeze %dma_wait3A_163 : memref<1x128xi32, #tpu.memory_space<vmem>> -> memref<128xi32, #tpu.memory_space<vmem>>
      %dma_wait3A_165 = arith.constant 0 : i32
      %dma_wait3A_166 = arith.constant 0 : i32
      %dma_wait3A_167 = tpu.memref_slice %arg3[%dma_wait3A_165, %dma_wait3A_166] : memref<100000x64xf32, #tpu.memory_space<hbm>> -> memref<100000x64xf32, #tpu.memory_space<hbm>>
      tpu.wait_indirect_dma semaphore(%arg18 : memref<!tpu.dma_semaphore, #tpu.memory_space<semaphore_mem>>) src(%dma_wait3A_167 : memref<100000x64xf32, #tpu.memory_space<hbm>>) dst(%arg10 : memref<128x64xf32, #tpu.memory_space<vmem>>)
      %ge3A_168 = arith.constant 1 : i32
      %ge3A_169 = arith.cmpi sge, %scan3A_77, %ge3A_168 : i32
      %convert_element_type3A_170 = arith.extui %ge3A_169 : i1 to i32
      %cond3A_171 = arith.constant 0 : i32
      %cond3A_172 = arith.cmpi ne, %convert_element_type3A_170, %cond3A_171 : i32
      scf.if %cond3A_172 {
        %sub3A = arith.constant 4 : i32
        %sub3A_244 = arith.subi %add3A_161, %sub3A : i32
        %dma_wait3A_245 = arith.constant 0 : i32
        %dma_wait3A_246 = arith.constant 0 : i32
        %dma_wait3A_247 = tpu.memref_slice %arg5[%sub3A_244, %dma_wait3A_245, %add3A, %dma_wait3A_246] : memref<200x8x32x1024xf32, #tpu.memory_space<hbm>> -> memref<1x8x1x1024xf32, #tpu.memory_space<hbm>>
        %dma_wait3A_248 = tpu.memref_squeeze %dma_wait3A_247 : memref<1x8x1x1024xf32, #tpu.memory_space<hbm>> -> memref<8x1024xf32, #tpu.memory_space<hbm>>
        %dma_wait3A_249 = arith.constant 0 : i32
        %dma_wait3A_250 = arith.constant 0 : i32
        %dma_wait3A_251 = tpu.memref_slice %arg5[%sub3A_244, %dma_wait3A_249, %add3A, %dma_wait3A_250] : memref<200x8x32x1024xf32, #tpu.memory_space<hbm>> -> memref<1x8x1x1024xf32, #tpu.memory_space<hbm>>
        %dma_wait3A_252 = tpu.memref_squeeze %dma_wait3A_251 : memref<1x8x1x1024xf32, #tpu.memory_space<hbm>> -> memref<8x1024xf32, #tpu.memory_space<hbm>>
        tpu.wait_dma2 semaphore(%arg22 : memref<!tpu.dma_semaphore, #tpu.memory_space<semaphore_mem>>) src(%arg14 : memref<8x1024xf32, #tpu.memory_space<vmem>>) dst(%dma_wait3A_252 : memref<8x1024xf32, #tpu.memory_space<hbm>>)
      } else {
      }
      %get3A_173 = arith.index_cast %add3A_161 : i32 to index
      %get3A_174 = arith.constant 0 : index
      %get3A_175 = tpu.vector_load %arg7[%get3A_173, %get3A_174] {strides = array<i32>} : memref<200x64xf32, #tpu.memory_space<vmem>>, vector<16xf32>,
      %get3A_176 = arith.index_cast %add3A_161 : i32 to index
      %get3A_177 = arith.constant 16 : index
      %get3A_178 = tpu.vector_load %arg7[%get3A_176, %get3A_177] {strides = array<i32>} : memref<200x64xf32, #tpu.memory_space<vmem>>, vector<16xf32>,
      %get3A_179 = arith.index_cast %add3A_161 : i32 to index
      %get3A_180 = arith.constant 32 : index
      %get3A_181 = tpu.vector_load %arg7[%get3A_179, %get3A_180] {strides = array<i32>} : memref<200x64xf32, #tpu.memory_space<vmem>>, vector<16xf32>,
      %get3A_182 = arith.index_cast %add3A_161 : i32 to index
      %get3A_183 = arith.constant 48 : index
      %get3A_184 = tpu.vector_load %arg7[%get3A_182, %get3A_183] {strides = array<i32>} : memref<200x64xf32, #tpu.memory_space<vmem>>, vector<16xf32>,
      %parallel_loop3A_185 = arith.constant 0 : i32
      %parallel_loop3A_186 = arith.constant 128 : i32
      %parallel_loop3A_187 = arith.constant 1 : i32
      scf.for %parallel_loop3A_244 = %parallel_loop3A_185 to %parallel_loop3A_186 step %parallel_loop3A_187  : i32 {
        %parallel_loop3A_245 = vector.broadcast %parallel_loop3A_244 : i32 to vector<16xi32>
        %parallel_loop3A_246 = arith.addi %iota3A, %parallel_loop3A_245 : vector<16xi32>
        %parallel_loop3A_247 = arith.constant 127 : i32
        %parallel_loop3A_248 = vector.broadcast %parallel_loop3A_247 : i32 to vector<16xi32>
        %parallel_loop3A_249 = arith.andi %parallel_loop3A_246, %parallel_loop3A_248 : vector<16xi32>
        %parallel_loop3A_250 = arith.addi %mul3A_34, %parallel_loop3A_249 : vector<16xi32>
        %parallel_loop3A_251 = arith.constant 0 : i32
        %parallel_loop3A_252 = vector.broadcast %parallel_loop3A_251 : i32 to vector<16xi32>
        %parallel_loop3A_253 = arith.addi %iota3A, %parallel_loop3A_252 : vector<16xi32>
        %parallel_loop3A_254 = tpu.vector_load_idx %arg10[%parallel_loop3A_249, %parallel_loop3A_253] : memref<128x64xf32, #tpu.memory_space<vmem>>[vector<16xi32>, vector<16xi32>], vector<16xf32>,
        %parallel_loop3A_255 = arith.addf %parallel_loop3A_254, %get3A_175 : vector<16xf32>
        %parallel_loop3A_256 = arith.constant 0 : i32
        %parallel_loop3A_257 = vector.broadcast %parallel_loop3A_256 : i32 to vector<16xi32>
        %parallel_loop3A_258 = arith.addi %shift_right_logical3A_36, %parallel_loop3A_257 : vector<16xi32>
        tpu.vector_store_idx %arg14[%parallel_loop3A_258, %parallel_loop3A_250], %parallel_loop3A_255 : memref<8x1024xf32, #tpu.memory_space<vmem>>[vector<16xi32>, vector<16xi32>], vector<16xf32>,
        %parallel_loop3A_259 = arith.constant 16 : i32
        %parallel_loop3A_260 = vector.broadcast %parallel_loop3A_259 : i32 to vector<16xi32>
        %parallel_loop3A_261 = arith.addi %iota3A, %parallel_loop3A_260 : vector<16xi32>
        %parallel_loop3A_262 = tpu.vector_load_idx %arg10[%parallel_loop3A_249, %parallel_loop3A_261] : memref<128x64xf32, #tpu.memory_space<vmem>>[vector<16xi32>, vector<16xi32>], vector<16xf32>,
        %parallel_loop3A_263 = arith.addf %parallel_loop3A_262, %get3A_178 : vector<16xf32>
        %parallel_loop3A_264 = arith.constant 2 : i32
        %parallel_loop3A_265 = vector.broadcast %parallel_loop3A_264 : i32 to vector<16xi32>
        %parallel_loop3A_266 = arith.addi %shift_right_logical3A_36, %parallel_loop3A_265 : vector<16xi32>
        tpu.vector_store_idx %arg14[%parallel_loop3A_266, %parallel_loop3A_250], %parallel_loop3A_263 : memref<8x1024xf32, #tpu.memory_space<vmem>>[vector<16xi32>, vector<16xi32>], vector<16xf32>,
        %parallel_loop3A_267 = arith.constant 32 : i32
        %parallel_loop3A_268 = vector.broadcast %parallel_loop3A_267 : i32 to vector<16xi32>
        %parallel_loop3A_269 = arith.addi %iota3A, %parallel_loop3A_268 : vector<16xi32>
        %parallel_loop3A_270 = tpu.vector_load_idx %arg10[%parallel_loop3A_249, %parallel_loop3A_269] : memref<128x64xf32, #tpu.memory_space<vmem>>[vector<16xi32>, vector<16xi32>], vector<16xf32>,
        %parallel_loop3A_271 = arith.addf %parallel_loop3A_270, %get3A_181 : vector<16xf32>
        %parallel_loop3A_272 = arith.constant 4 : i32
        %parallel_loop3A_273 = vector.broadcast %parallel_loop3A_272 : i32 to vector<16xi32>
        %parallel_loop3A_274 = arith.addi %shift_right_logical3A_36, %parallel_loop3A_273 : vector<16xi32>
        tpu.vector_store_idx %arg14[%parallel_loop3A_274, %parallel_loop3A_250], %parallel_loop3A_271 : memref<8x1024xf32, #tpu.memory_space<vmem>>[vector<16xi32>, vector<16xi32>], vector<16xf32>,
        %parallel_loop3A_275 = arith.constant 48 : i32
        %parallel_loop3A_276 = vector.broadcast %parallel_loop3A_275 : i32 to vector<16xi32>
        %parallel_loop3A_277 = arith.addi %iota3A, %parallel_loop3A_276 : vector<16xi32>
        %parallel_loop3A_278 = tpu.vector_load_idx %arg10[%parallel_loop3A_249, %parallel_loop3A_277] : memref<128x64xf32, #tpu.memory_space<vmem>>[vector<16xi32>, vector<16xi32>], vector<16xf32>,
        %parallel_loop3A_279 = arith.addf %parallel_loop3A_278, %get3A_184 : vector<16xf32>
        %parallel_loop3A_280 = arith.constant 6 : i32
        %parallel_loop3A_281 = vector.broadcast %parallel_loop3A_280 : i32 to vector<16xi32>
        %parallel_loop3A_282 = arith.addi %shift_right_logical3A_36, %parallel_loop3A_281 : vector<16xi32>
        tpu.vector_store_idx %arg14[%parallel_loop3A_282, %parallel_loop3A_250], %parallel_loop3A_279 : memref<8x1024xf32, #tpu.memory_space<vmem>>[vector<16xi32>, vector<16xi32>], vector<16xf32>,
      } {sc.loop_unroll_factor = 4 : i64, sc.parallel_access}
      %dma_start3A_188 = arith.constant 0 : i32
      %dma_start3A_189 = arith.constant 0 : i32
      %dma_start3A_190 = tpu.memref_slice %arg5[%add3A_161, %dma_start3A_188, %add3A, %dma_start3A_189] : memref<200x8x32x1024xf32, #tpu.memory_space<hbm>> -> memref<1x8x1x1024xf32, #tpu.memory_space<hbm>>
      %dma_start3A_191 = tpu.memref_squeeze %dma_start3A_190 : memref<1x8x1x1024xf32, #tpu.memory_space<hbm>> -> memref<8x1024xf32, #tpu.memory_space<hbm>>
      %dma_start3A_192 = arith.constant 0 : i32
      %dma_start3A_193 = arith.constant 0 : i32
      %dma_start3A_194 = tpu.memref_slice %arg5[%add3A_161, %dma_start3A_192, %add3A, %dma_start3A_193] : memref<200x8x32x1024xf32, #tpu.memory_space<hbm>> -> memref<1x8x1x1024xf32, #tpu.memory_space<hbm>>
      %dma_start3A_195 = tpu.memref_squeeze %dma_start3A_194 : memref<1x8x1x1024xf32, #tpu.memory_space<hbm>> -> memref<8x1024xf32, #tpu.memory_space<hbm>>
      tpu.enqueue_dma source(%arg14 : memref<8x1024xf32, #tpu.memory_space<vmem>>) target(%dma_start3A_195 : memref<8x1024xf32, #tpu.memory_space<hbm>>) target_semaphore(%arg22 : memref<!tpu.dma_semaphore, #tpu.memory_space<semaphore_mem>>)
      %lt3A_196 = arith.constant 49 : i32
      %lt3A_197 = arith.cmpi slt, %scan3A_77, %lt3A_196 : i32
      %convert_element_type3A_198 = arith.extui %lt3A_197 : i1 to i32
      %cond3A_199 = arith.constant 0 : i32
      %cond3A_200 = arith.cmpi ne, %convert_element_type3A_198, %cond3A_199 : i32
      scf.if %cond3A_200 {
        %add3A_244 = arith.constant 4 : i32
        %add3A_245 = arith.addi %add3A_161, %add3A_244 : i32
        %dma_start3A_246 = arith.constant 0 : i32
        %dma_start3A_247 = tpu.memref_slice %arg6[%add3A_245, %dma_start3A_246] : memref<200x128xi32, #tpu.memory_space<vmem>> -> memref<1x128xi32, #tpu.memory_space<vmem>>
        %dma_start3A_248 = tpu.memref_squeeze %dma_start3A_247 : memref<1x128xi32, #tpu.memory_space<vmem>> -> memref<128xi32, #tpu.memory_space<vmem>>
        %dma_start3A_249 = arith.constant 0 : i32
        %dma_start3A_250 = arith.constant 0 : i32
        %dma_start3A_251 = tpu.memref_slice %arg3[%dma_start3A_249, %dma_start3A_250] : memref<100000x64xf32, #tpu.memory_space<hbm>> -> memref<100000x64xf32, #tpu.memory_space<hbm>>
        tpu.enqueue_indirect_dma source(%dma_start3A_251 : memref<100000x64xf32, #tpu.memory_space<hbm>>) target(%arg10 : memref<128x64xf32, #tpu.memory_space<vmem>>) offsets(%dma_start3A_248 : memref<128xi32, #tpu.memory_space<vmem>>) semaphore(%arg18 : memref<!tpu.dma_semaphore, #tpu.memory_space<semaphore_mem>>)
      } else {
      }
      %mul3A_201 = arith.constant 4 : i32
      %mul3A_202 = arith.muli %scan3A_77, %mul3A_201 : i32
      %add3A_203 = arith.constant 3 : i32
      %add3A_204 = arith.addi %mul3A_202, %add3A_203 : i32
      %dma_wait3A_205 = arith.constant 0 : i32
      %dma_wait3A_206 = tpu.memref_slice %arg6[%add3A_204, %dma_wait3A_205] : memref<200x128xi32, #tpu.memory_space<vmem>> -> memref<1x128xi32, #tpu.memory_space<vmem>>
      %dma_wait3A_207 = tpu.memref_squeeze %dma_wait3A_206 : memref<1x128xi32, #tpu.memory_space<vmem>> -> memref<128xi32, #tpu.memory_space<vmem>>
      %dma_wait3A_208 = arith.constant 0 : i32
      %dma_wait3A_209 = arith.constant 0 : i32
      %dma_wait3A_210 = tpu.memref_slice %arg3[%dma_wait3A_208, %dma_wait3A_209] : memref<100000x64xf32, #tpu.memory_space<hbm>> -> memref<100000x64xf32, #tpu.memory_space<hbm>>
      tpu.wait_indirect_dma semaphore(%arg19 : memref<!tpu.dma_semaphore, #tpu.memory_space<semaphore_mem>>) src(%dma_wait3A_210 : memref<100000x64xf32, #tpu.memory_space<hbm>>) dst(%arg11 : memref<128x64xf32, #tpu.memory_space<vmem>>)
      %ge3A_211 = arith.constant 1 : i32
      %ge3A_212 = arith.cmpi sge, %scan3A_77, %ge3A_211 : i32
      %convert_element_type3A_213 = arith.extui %ge3A_212 : i1 to i32
      %cond3A_214 = arith.constant 0 : i32
      %cond3A_215 = arith.cmpi ne, %convert_element_type3A_213, %cond3A_214 : i32
      scf.if %cond3A_215 {
        %sub3A = arith.constant 4 : i32
        %sub3A_244 = arith.subi %add3A_204, %sub3A : i32
        %dma_wait3A_245 = arith.constant 0 : i32
        %dma_wait3A_246 = arith.constant 0 : i32
        %dma_wait3A_247 = tpu.memref_slice %arg5[%sub3A_244, %dma_wait3A_245, %add3A, %dma_wait3A_246] : memref<200x8x32x1024xf32, #tpu.memory_space<hbm>> -> memref<1x8x1x1024xf32, #tpu.memory_space<hbm>>
        %dma_wait3A_248 = tpu.memref_squeeze %dma_wait3A_247 : memref<1x8x1x1024xf32, #tpu.memory_space<hbm>> -> memref<8x1024xf32, #tpu.memory_space<hbm>>
        %dma_wait3A_249 = arith.constant 0 : i32
        %dma_wait3A_250 = arith.constant 0 : i32
        %dma_wait3A_251 = tpu.memref_slice %arg5[%sub3A_244, %dma_wait3A_249, %add3A, %dma_wait3A_250] : memref<200x8x32x1024xf32, #tpu.memory_space<hbm>> -> memref<1x8x1x1024xf32, #tpu.memory_space<hbm>>
        %dma_wait3A_252 = tpu.memref_squeeze %dma_wait3A_251 : memref<1x8x1x1024xf32, #tpu.memory_space<hbm>> -> memref<8x1024xf32, #tpu.memory_space<hbm>>
        tpu.wait_dma2 semaphore(%arg23 : memref<!tpu.dma_semaphore, #tpu.memory_space<semaphore_mem>>) src(%arg15 : memref<8x1024xf32, #tpu.memory_space<vmem>>) dst(%dma_wait3A_252 : memref<8x1024xf32, #tpu.memory_space<hbm>>)
      } else {
      }
      %get3A_216 = arith.index_cast %add3A_204 : i32 to index
      %get3A_217 = arith.constant 0 : index
      %get3A_218 = tpu.vector_load %arg7[%get3A_216, %get3A_217] {strides = array<i32>} : memref<200x64xf32, #tpu.memory_space<vmem>>, vector<16xf32>,
      %get3A_219 = arith.index_cast %add3A_204 : i32 to index
      %get3A_220 = arith.constant 16 : index
      %get3A_221 = tpu.vector_load %arg7[%get3A_219, %get3A_220] {strides = array<i32>} : memref<200x64xf32, #tpu.memory_space<vmem>>, vector<16xf32>,
      %get3A_222 = arith.index_cast %add3A_204 : i32 to index
      %get3A_223 = arith.constant 32 : index
      %get3A_224 = tpu.vector_load %arg7[%get3A_222, %get3A_223] {strides = array<i32>} : memref<200x64xf32, #tpu.memory_space<vmem>>, vector<16xf32>,
      %get3A_225 = arith.index_cast %add3A_204 : i32 to index
      %get3A_226 = arith.constant 48 : index
      %get3A_227 = tpu.vector_load %arg7[%get3A_225, %get3A_226] {strides = array<i32>} : memref<200x64xf32, #tpu.memory_space<vmem>>, vector<16xf32>,
      %parallel_loop3A_228 = arith.constant 0 : i32
      %parallel_loop3A_229 = arith.constant 128 : i32
      %parallel_loop3A_230 = arith.constant 1 : i32
      scf.for %parallel_loop3A_244 = %parallel_loop3A_228 to %parallel_loop3A_229 step %parallel_loop3A_230  : i32 {
        %parallel_loop3A_245 = vector.broadcast %parallel_loop3A_244 : i32 to vector<16xi32>
        %parallel_loop3A_246 = arith.addi %iota3A, %parallel_loop3A_245 : vector<16xi32>
        %parallel_loop3A_247 = arith.constant 127 : i32
        %parallel_loop3A_248 = vector.broadcast %parallel_loop3A_247 : i32 to vector<16xi32>
        %parallel_loop3A_249 = arith.andi %parallel_loop3A_246, %parallel_loop3A_248 : vector<16xi32>
        %parallel_loop3A_250 = arith.addi %mul3A_34, %parallel_loop3A_249 : vector<16xi32>
        %parallel_loop3A_251 = arith.constant 0 : i32
        %parallel_loop3A_252 = vector.broadcast %parallel_loop3A_251 : i32 to vector<16xi32>
        %parallel_loop3A_253 = arith.addi %iota3A, %parallel_loop3A_252 : vector<16xi32>
        %parallel_loop3A_254 = tpu.vector_load_idx %arg11[%parallel_loop3A_249, %parallel_loop3A_253] : memref<128x64xf32, #tpu.memory_space<vmem>>[vector<16xi32>, vector<16xi32>], vector<16xf32>,
        %parallel_loop3A_255 = arith.addf %parallel_loop3A_254, %get3A_218 : vector<16xf32>
        %parallel_loop3A_256 = arith.constant 0 : i32
        %parallel_loop3A_257 = vector.broadcast %parallel_loop3A_256 : i32 to vector<16xi32>
        %parallel_loop3A_258 = arith.addi %shift_right_logical3A_36, %parallel_loop3A_257 : vector<16xi32>
        tpu.vector_store_idx %arg15[%parallel_loop3A_258, %parallel_loop3A_250], %parallel_loop3A_255 : memref<8x1024xf32, #tpu.memory_space<vmem>>[vector<16xi32>, vector<16xi32>], vector<16xf32>,
        %parallel_loop3A_259 = arith.constant 16 : i32
        %parallel_loop3A_260 = vector.broadcast %parallel_loop3A_259 : i32 to vector<16xi32>
        %parallel_loop3A_261 = arith.addi %iota3A, %parallel_loop3A_260 : vector<16xi32>
        %parallel_loop3A_262 = tpu.vector_load_idx %arg11[%parallel_loop3A_249, %parallel_loop3A_261] : memref<128x64xf32, #tpu.memory_space<vmem>>[vector<16xi32>, vector<16xi32>], vector<16xf32>,
        %parallel_loop3A_263 = arith.addf %parallel_loop3A_262, %get3A_221 : vector<16xf32>
        %parallel_loop3A_264 = arith.constant 2 : i32
        %parallel_loop3A_265 = vector.broadcast %parallel_loop3A_264 : i32 to vector<16xi32>
        %parallel_loop3A_266 = arith.addi %shift_right_logical3A_36, %parallel_loop3A_265 : vector<16xi32>
        tpu.vector_store_idx %arg15[%parallel_loop3A_266, %parallel_loop3A_250], %parallel_loop3A_263 : memref<8x1024xf32, #tpu.memory_space<vmem>>[vector<16xi32>, vector<16xi32>], vector<16xf32>,
        %parallel_loop3A_267 = arith.constant 32 : i32
        %parallel_loop3A_268 = vector.broadcast %parallel_loop3A_267 : i32 to vector<16xi32>
        %parallel_loop3A_269 = arith.addi %iota3A, %parallel_loop3A_268 : vector<16xi32>
        %parallel_loop3A_270 = tpu.vector_load_idx %arg11[%parallel_loop3A_249, %parallel_loop3A_269] : memref<128x64xf32, #tpu.memory_space<vmem>>[vector<16xi32>, vector<16xi32>], vector<16xf32>,
        %parallel_loop3A_271 = arith.addf %parallel_loop3A_270, %get3A_224 : vector<16xf32>
        %parallel_loop3A_272 = arith.constant 4 : i32
        %parallel_loop3A_273 = vector.broadcast %parallel_loop3A_272 : i32 to vector<16xi32>
        %parallel_loop3A_274 = arith.addi %shift_right_logical3A_36, %parallel_loop3A_273 : vector<16xi32>
        tpu.vector_store_idx %arg15[%parallel_loop3A_274, %parallel_loop3A_250], %parallel_loop3A_271 : memref<8x1024xf32, #tpu.memory_space<vmem>>[vector<16xi32>, vector<16xi32>], vector<16xf32>,
        %parallel_loop3A_275 = arith.constant 48 : i32
        %parallel_loop3A_276 = vector.broadcast %parallel_loop3A_275 : i32 to vector<16xi32>
        %parallel_loop3A_277 = arith.addi %iota3A, %parallel_loop3A_276 : vector<16xi32>
        %parallel_loop3A_278 = tpu.vector_load_idx %arg11[%parallel_loop3A_249, %parallel_loop3A_277] : memref<128x64xf32, #tpu.memory_space<vmem>>[vector<16xi32>, vector<16xi32>], vector<16xf32>,
        %parallel_loop3A_279 = arith.addf %parallel_loop3A_278, %get3A_227 : vector<16xf32>
        %parallel_loop3A_280 = arith.constant 6 : i32
        %parallel_loop3A_281 = vector.broadcast %parallel_loop3A_280 : i32 to vector<16xi32>
        %parallel_loop3A_282 = arith.addi %shift_right_logical3A_36, %parallel_loop3A_281 : vector<16xi32>
        tpu.vector_store_idx %arg15[%parallel_loop3A_282, %parallel_loop3A_250], %parallel_loop3A_279 : memref<8x1024xf32, #tpu.memory_space<vmem>>[vector<16xi32>, vector<16xi32>], vector<16xf32>,
      } {sc.loop_unroll_factor = 4 : i64, sc.parallel_access}
      %dma_start3A_231 = arith.constant 0 : i32
      %dma_start3A_232 = arith.constant 0 : i32
      %dma_start3A_233 = tpu.memref_slice %arg5[%add3A_204, %dma_start3A_231, %add3A, %dma_start3A_232] : memref<200x8x32x1024xf32, #tpu.memory_space<hbm>> -> memref<1x8x1x1024xf32, #tpu.memory_space<hbm>>
      %dma_start3A_234 = tpu.memref_squeeze %dma_start3A_233 : memref<1x8x1x1024xf32, #tpu.memory_space<hbm>> -> memref<8x1024xf32, #tpu.memory_space<hbm>>
      %dma_start3A_235 = arith.constant 0 : i32
      %dma_start3A_236 = arith.constant 0 : i32
      %dma_start3A_237 = tpu.memref_slice %arg5[%add3A_204, %dma_start3A_235, %add3A, %dma_start3A_236] : memref<200x8x32x1024xf32, #tpu.memory_space<hbm>> -> memref<1x8x1x1024xf32, #tpu.memory_space<hbm>>
      %dma_start3A_238 = tpu.memref_squeeze %dma_start3A_237 : memref<1x8x1x1024xf32, #tpu.memory_space<hbm>> -> memref<8x1024xf32, #tpu.memory_space<hbm>>
      tpu.enqueue_dma source(%arg15 : memref<8x1024xf32, #tpu.memory_space<vmem>>) target(%dma_start3A_238 : memref<8x1024xf32, #tpu.memory_space<hbm>>) target_semaphore(%arg23 : memref<!tpu.dma_semaphore, #tpu.memory_space<semaphore_mem>>)
      %lt3A_239 = arith.constant 49 : i32
      %lt3A_240 = arith.cmpi slt, %scan3A_77, %lt3A_239 : i32
      %convert_element_type3A_241 = arith.extui %lt3A_240 : i1 to i32
      %cond3A_242 = arith.constant 0 : i32
      %cond3A_243 = arith.cmpi ne, %convert_element_type3A_241, %cond3A_242 : i32
      scf.if %cond3A_243 {
        %add3A_244 = arith.constant 4 : i32
        %add3A_245 = arith.addi %add3A_204, %add3A_244 : i32
        %dma_start3A_246 = arith.constant 0 : i32
        %dma_start3A_247 = tpu.memref_slice %arg6[%add3A_245, %dma_start3A_246] : memref<200x128xi32, #tpu.memory_space<vmem>> -> memref<1x128xi32, #tpu.memory_space<vmem>>
        %dma_start3A_248 = tpu.memref_squeeze %dma_start3A_247 : memref<1x128xi32, #tpu.memory_space<vmem>> -> memref<128xi32, #tpu.memory_space<vmem>>
        %dma_start3A_249 = arith.constant 0 : i32
        %dma_start3A_250 = arith.constant 0 : i32
        %dma_start3A_251 = tpu.memref_slice %arg3[%dma_start3A_249, %dma_start3A_250] : memref<100000x64xf32, #tpu.memory_space<hbm>> -> memref<100000x64xf32, #tpu.memory_space<hbm>>
        tpu.enqueue_indirect_dma source(%dma_start3A_251 : memref<100000x64xf32, #tpu.memory_space<hbm>>) target(%arg11 : memref<128x64xf32, #tpu.memory_space<vmem>>) offsets(%dma_start3A_248 : memref<128xi32, #tpu.memory_space<vmem>>) semaphore(%arg19 : memref<!tpu.dma_semaphore, #tpu.memory_space<semaphore_mem>>)
      } else {
      }
    }
    %scan3A_41 = arith.constant 50 : i32
    %dma_wait3A = arith.constant 196 : i32
    %dma_wait3A_42 = arith.constant 0 : i32
    %dma_wait3A_43 = arith.constant 0 : i32
    %dma_wait3A_44 = tpu.memref_slice %arg5[%dma_wait3A, %dma_wait3A_42, %add3A, %dma_wait3A_43] : memref<200x8x32x1024xf32, #tpu.memory_space<hbm>> -> memref<1x8x1x1024xf32, #tpu.memory_space<hbm>>
    %dma_wait3A_45 = tpu.memref_squeeze %dma_wait3A_44 : memref<1x8x1x1024xf32, #tpu.memory_space<hbm>> -> memref<8x1024xf32, #tpu.memory_space<hbm>>
    %dma_wait3A_46 = arith.constant 0 : i32
    %dma_wait3A_47 = arith.constant 0 : i32
    %dma_wait3A_48 = tpu.memref_slice %arg5[%dma_wait3A, %dma_wait3A_46, %add3A, %dma_wait3A_47] : memref<200x8x32x1024xf32, #tpu.memory_space<hbm>> -> memref<1x8x1x1024xf32, #tpu.memory_space<hbm>>
    %dma_wait3A_49 = tpu.memref_squeeze %dma_wait3A_48 : memref<1x8x1x1024xf32, #tpu.memory_space<hbm>> -> memref<8x1024xf32, #tpu.memory_space<hbm>>
    tpu.wait_dma2 semaphore(%arg20 : memref<!tpu.dma_semaphore, #tpu.memory_space<semaphore_mem>>) src(%arg12 : memref<8x1024xf32, #tpu.memory_space<vmem>>) dst(%dma_wait3A_49 : memref<8x1024xf32, #tpu.memory_space<hbm>>)
    %dma_wait3A_50 = arith.constant 197 : i32
    %dma_wait3A_51 = arith.constant 0 : i32
    %dma_wait3A_52 = arith.constant 0 : i32
    %dma_wait3A_53 = tpu.memref_slice %arg5[%dma_wait3A_50, %dma_wait3A_51, %add3A, %dma_wait3A_52] : memref<200x8x32x1024xf32, #tpu.memory_space<hbm>> -> memref<1x8x1x1024xf32, #tpu.memory_space<hbm>>
    %dma_wait3A_54 = tpu.memref_squeeze %dma_wait3A_53 : memref<1x8x1x1024xf32, #tpu.memory_space<hbm>> -> memref<8x1024xf32, #tpu.memory_space<hbm>>
    %dma_wait3A_55 = arith.constant 0 : i32
    %dma_wait3A_56 = arith.constant 0 : i32
    %dma_wait3A_57 = tpu.memref_slice %arg5[%dma_wait3A_50, %dma_wait3A_55, %add3A, %dma_wait3A_56] : memref<200x8x32x1024xf32, #tpu.memory_space<hbm>> -> memref<1x8x1x1024xf32, #tpu.memory_space<hbm>>
    %dma_wait3A_58 = tpu.memref_squeeze %dma_wait3A_57 : memref<1x8x1x1024xf32, #tpu.memory_space<hbm>> -> memref<8x1024xf32, #tpu.memory_space<hbm>>
    tpu.wait_dma2 semaphore(%arg21 : memref<!tpu.dma_semaphore, #tpu.memory_space<semaphore_mem>>) src(%arg13 : memref<8x1024xf32, #tpu.memory_space<vmem>>) dst(%dma_wait3A_58 : memref<8x1024xf32, #tpu.memory_space<hbm>>)
    %dma_wait3A_59 = arith.constant 198 : i32
    %dma_wait3A_60 = arith.constant 0 : i32
    %dma_wait3A_61 = arith.constant 0 : i32
    %dma_wait3A_62 = tpu.memref_slice %arg5[%dma_wait3A_59, %dma_wait3A_60, %add3A, %dma_wait3A_61] : memref<200x8x32x1024xf32, #tpu.memory_space<hbm>> -> memref<1x8x1x1024xf32, #tpu.memory_space<hbm>>
    %dma_wait3A_63 = tpu.memref_squeeze %dma_wait3A_62 : memref<1x8x1x1024xf32, #tpu.memory_space<hbm>> -> memref<8x1024xf32, #tpu.memory_space<hbm>>
    %dma_wait3A_64 = arith.constant 0 : i32
    %dma_wait3A_65 = arith.constant 0 : i32
    %dma_wait3A_66 = tpu.memref_slice %arg5[%dma_wait3A_59, %dma_wait3A_64, %add3A, %dma_wait3A_65] : memref<200x8x32x1024xf32, #tpu.memory_space<hbm>> -> memref<1x8x1x1024xf32, #tpu.memory_space<hbm>>
    %dma_wait3A_67 = tpu.memref_squeeze %dma_wait3A_66 : memref<1x8x1x1024xf32, #tpu.memory_space<hbm>> -> memref<8x1024xf32, #tpu.memory_space<hbm>>
    tpu.wait_dma2 semaphore(%arg22 : memref<!tpu.dma_semaphore, #tpu.memory_space<semaphore_mem>>) src(%arg14 : memref<8x1024xf32, #tpu.memory_space<vmem>>) dst(%dma_wait3A_67 : memref<8x1024xf32, #tpu.memory_space<hbm>>)
    %dma_wait3A_68 = arith.constant 199 : i32
    %dma_wait3A_69 = arith.constant 0 : i32
    %dma_wait3A_70 = arith.constant 0 : i32
    %dma_wait3A_71 = tpu.memref_slice %arg5[%dma_wait3A_68, %dma_wait3A_69, %add3A, %dma_wait3A_70] : memref<200x8x32x1024xf32, #tpu.memory_space<hbm>> -> memref<1x8x1x1024xf32, #tpu.memory_space<hbm>>
    %dma_wait3A_72 = tpu.memref_squeeze %dma_wait3A_71 : memref<1x8x1x1024xf32, #tpu.memory_space<hbm>> -> memref<8x1024xf32, #tpu.memory_space<hbm>>
    %dma_wait3A_73 = arith.constant 0 : i32
    %dma_wait3A_74 = arith.constant 0 : i32
    %dma_wait3A_75 = tpu.memref_slice %arg5[%dma_wait3A_68, %dma_wait3A_73, %add3A, %dma_wait3A_74] : memref<200x8x32x1024xf32, #tpu.memory_space<hbm>> -> memref<1x8x1x1024xf32, #tpu.memory_space<hbm>>
    %dma_wait3A_76 = tpu.memref_squeeze %dma_wait3A_75 : memref<1x8x1x1024xf32, #tpu.memory_space<hbm>> -> memref<8x1024xf32, #tpu.memory_space<hbm>>
    tpu.wait_dma2 semaphore(%arg23 : memref<!tpu.dma_semaphore, #tpu.memory_space<semaphore_mem>>) src(%arg15 : memref<8x1024xf32, #tpu.memory_space<vmem>>) dst(%dma_wait3A_76 : memref<8x1024xf32, #tpu.memory_space<hbm>>)
    return
  }
}

</mosaic_0001>

<sc_bundles>
// kernel: kernel.3.cloned.1.call-start
scs
__scs_entry_jumppad:
0x0: {  	(pc) =	sbr.rel $0x88, $3  }
0x1: {  	(tag) =	ssettag $0x0;
	lr =	simm.s32 $0x1  }
0x2: {  	[smem:$0x3F9E] =	sst lr;
	_ =	strace $0xD0000000  }
0x3: {  	_ = 	snop  }
0x4: {  	_ = 	snop  }
0x5: {  	_ = 	snop  }
0x6: {  	_ = 	snop  }
0x7: {  	_ = 	snop  }
__scs_overlays_trampoline_lowered:
0x8: {  	[smem:$0x3FAD] =	sst s0  }
0x9: {  	[smem:$0x3FAE] =	sst s1  }
0xa: {  	[smem:$0x3FAF] =	sst s2  }
0xb: {  	[smem:$0x3FB0] =	sst s3  }
0xc: {  	[smem:$0x3FB1] =	sst s4  }
0xd: {  	[smem:$0x3FB2] =	sst s5  }
0xe: {  	[smem:$0x3FB3] =	sst s6  }
0xf: {  	[smem:$0x3FB4] =	sst s7  }
0x10: {  	[smem:$0x3FB5] =	sst s8  }
0x11: {  	[smem:$0x3FB6] =	sst s9;
	s0 =	simm.s32 @!p0 $0x0  }
0x12: {  	s1 =	sld [smem:$0x3F9C];
	s0 =	simm.s32 @p0 $0x1  }
0x13: {  	[smem:$0x3FB7] =	sst s0;
	s0 =	simm.s32 @!p1 $0x0  }
0x14: {  	s2 =	sld [smem:$0x3F9B];
	s0 =	simm.s32 @p1 $0x1  }
0x15: {  	[smem:$0x3FB8] =	sst s0;
	s0 =	simm.s32 @!p2 $0x0  }
0x16: {  	s3 =	sld [smem:$0x3FDB];
	s0 =	simm.s32 @p2 $0x1  }
0x17: {  	s4 =	simm.s32 $0x1BF5;
	[smem:$0x3FBA] =	sst s0  }
0x18: {  	s0 =	sld [smem:$0x3F9D];
	_ =	swait.ge [sflag:s4], $0x0  }
0x19: {  	s7 =	sld [smem:$0x3F9E]  }
0x1a: {  	s8 =	sadd.s32 $0xFFFFE003, lr  }
0x1b: {  	s9 =	sadd.s32 $0xFFFFFEF7, lr;
	s5 =	simm.s32 $0xFFFFFFFF;
	p2 =	slt.u32 s8, $0xFFFFF086  }
0x1c: {  	p1 =	slt.u32 s9, $0xF7A;
	s5 =	simm.s32 @!p2 $0x0  }
0x1d: {  	s5 =	simm.s32 @p1 $0x1;
	p0 =	seq.s32 s7, s2  }
0x1e: {  	s7 =	smul.u32 @!p0 $0xF7A, s2;
	p2 =	seq.s32 @!p0 s5, $0x0  }
0x1f: {  	s9 =	smul.u32 $0xF7A, s1;
	s8 =	simm.s32 @!p0 $0x1BF5;
	p2 =	por !p2, p0  }
0x20: {  	[sflag:s8] =	ssyncset.s32 @!p0 $0xFFFFF086;
	s6 =	sadd.s32 @!p0 s3, s7;
	s7 =	simm.s32 @!p0 $0x108  }
0x21: {  	s3 =	sadd.s32 s3, s9;
	s6 =	sadd.s32 @!p0 $0x88, s6;
	s7 =	simm.s32 @p2 $0x1082  }
0x22: {  	[simem:s7], [sflag:s8] =	dma.local @!p0 [hbm:s6], $0xF7A  }
0x23: {  	s9 =	sor.u32 $0xD0000000, s2;
	s6 =	simm.s32 $0x108;
	_ =	swait.ge @!p0 [sflag:s8], $0x0  }
0x24: {  	s3 =	sadd.s32 $0x88, s3;
	s6 =	simm.s32 @!p1 $0x1082;
	[sflag:s4] =	ssyncset.s32 $0xFFFFF086  }
0x25: {  	[simem:s6], [sflag:s4] =	dma.local [hbm:s3], $0xF7A  }
0x26: {  	[smem:$0x3F9E] =	sst s1;
	(tag) =	ssettag s2;
	_ =	strace s9  }
0x27: {  	s1 =	sld [smem:$0x3FAE]  }
0x28: {  	s2 =	sld [smem:$0x3FAF]  }
0x29: {  	s4 =	sld [smem:$0x3FB1]  }
0x2a: {  	p0 =	seq.s32 s5, $0x0;
	s5 =	sld [smem:$0x3FB2]  }
0x2b: {  	s6 =	sld [smem:$0x3FB3]  }
0x2c: {  	s7 =	sld [smem:$0x3FB4]  }
0x2d: {  	s3 =	simm.s32 $0x108;
	s8 =	sld [smem:$0x3FB5]  }
0x2e: {  	s3 =	simm.s32 @!p0 $0x1082;
	s9 =	sld [smem:$0x3FB6]  }
0x2f: {  	lr =	sadd.s32 s0, s3;
	s0 =	sld [smem:$0x3FAD]  }
0x30: {  	s3 =	sld [smem:$0x3FB0]  }
0x31: {  	[smem:$0x3FB9] =	sst s10  }
0x32: {  	s10 =	sld [smem:$0x3FB7];
	_ =	sdelay $0x3  }
0x33: {  	p0 =	seq.s32 s10, $0x1;
	s10 =	sld [smem:$0x3FB9];
	_ =	sdelay $0x3  }
0x34: {  	[smem:$0x3FB9] =	sst s10  }
0x35: {  	s10 =	sld [smem:$0x3FB8];
	_ =	sdelay $0x3  }
0x36: {  	p1 =	seq.s32 s10, $0x1;
	s10 =	sld [smem:$0x3FB9];
	_ =	sdelay $0x3  }
0x37: {  	[smem:$0x3FB9] =	sst s10  }
0x38: {  	s10 =	sld [smem:$0x3FBA]  }
0x39: {  	_ = 	snop;
	(pc) =	sbr.ind lr, $3  }
0x3a: {  	_ = 	snop  }
0x3b: {  	_ = 	snop  }
0x3c: {  	p2 =	seq.s32 s10, $0x1;
	s10 =	sld [smem:$0x3FB9]  }
0x3d: {  	_ =	shalt  }
0x3e: {  	_ =	shalt  }
0x3f: {  	_ =	shalt  }
0x40: {  	_ =	shalt  }
0x41: {  	_ =	shalt  }
0x42: {  	_ =	shalt  }
0x43: {  	_ =	shalt  }
0x44: {  	_ =	shalt  }
0x45: {  	_ =	shalt  }
0x46: {  	_ =	shalt  }
0x47: {  	_ =	shalt  }
0x48: {  	_ =	shalt  }
0x49: {  	_ =	shalt  }
0x4a: {  	_ =	shalt  }
0x4b: {  	_ =	shalt  }
0x4c: {  	_ =	shalt  }
0x4d: {  	_ =	shalt  }
0x4e: {  	_ =	shalt  }
0x4f: {  	_ =	shalt  }
0x50: {  	_ =	shalt  }
0x51: {  	_ =	shalt  }
0x52: {  	_ =	shalt  }
0x53: {  	_ =	shalt  }
0x54: {  	_ =	shalt  }
0x55: {  	_ =	shalt  }
0x56: {  	_ =	shalt  }
0x57: {  	_ =	shalt  }
0x58: {  	_ =	shalt  }
0x59: {  	_ =	shalt  }
0x5a: {  	_ =	shalt  }
0x5b: {  	_ =	shalt  }
0x5c: {  	_ =	shalt  }
0x5d: {  	_ =	shalt  }
0x5e: {  	_ =	shalt  }
0x5f: {  	_ =	shalt  }
0x60: {  	_ =	shalt  }
0x61: {  	_ =	shalt  }
0x62: {  	_ =	shalt  }
0x63: {  	_ =	shalt  }
0x64: {  	_ =	shalt  }
0x65: {  	_ =	shalt  }
0x66: {  	_ =	shalt  }
0x67: {  	_ =	shalt  }
0x68: {  	_ =	shalt  }
0x69: {  	_ =	shalt  }
0x6a: {  	_ =	shalt  }
0x6b: {  	_ =	shalt  }
0x6c: {  	_ =	shalt  }
0x6d: {  	_ =	shalt  }
0x6e: {  	_ =	shalt  }
0x6f: {  	_ =	shalt  }
0x70: {  	_ =	shalt  }
0x71: {  	_ =	shalt  }
0x72: {  	_ =	shalt  }
0x73: {  	_ =	shalt  }
0x74: {  	_ =	shalt  }
0x75: {  	_ =	shalt  }
0x76: {  	_ =	shalt  }
0x77: {  	_ =	shalt  }
0x78: {  	_ =	shalt  }
0x79: {  	_ =	shalt  }
0x7a: {  	_ =	shalt  }
0x7b: {  	_ =	shalt  }
0x7c: {  	_ =	shalt  }
0x7d: {  	_ =	shalt  }
0x7e: {  	_ =	shalt  }
0x7f: {  	_ =	shalt  }
0x80: {  	_ =	shalt  }
0x81: {  	_ =	shalt  }
0x82: {  	_ =	shalt  }
0x83: {  	_ =	shalt  }
0x84: {  	_ =	shalt  }
0x85: {  	_ =	shalt  }
0x86: {  	_ =	shalt  }
0x87: {  	_ =	shalt  }
.Lfunc_end0:
.L_simem_size_0:
called_computation_lowered:
.L_overlay_start_0:
0x88: {  	s2 =	sld [smem:$0x3FD9]  }
0x89: {  	s3 =	sld [smem:$0x3FFE];
	_ =	sdelay $0x1  }
0x8a: {  	s1 =	srdreg.scid  }
0x8b: {  	s0 =	sand.u32 $0x1, s1  }
0x8c: {  	s17 =	sshll.u32 s0, $0xA;
	s2 =	sadd.s32 s3, s2  }
0x8d: {  	s2 =	sadd.s32 s2, s17  }
0x8e: {  	[smem:$0x3FC5] =	sst s2  }
0x8f: {  	_ = 	snop  }
0x90: {  	s2 =	sld [smem:$0x3FD0];
	(tm) =	ssettm $0x1  }
0x91: {  	s18 =	sld [smem:$0x3FFB];
	_ =	sdelay $0x3  }
0x92: {  	_ =	strace s18  }
0x93: {  	s3 =	sld [smem:$0x3FFC];
	_ =	sdelay $0x3  }
0x94: {  	_ =	strace s3  }
0x95: {  	s3 =	sld [smem:$0x3FFD];
	_ =	sdelay $0x3  }
0x96: {  	_ =	strace s3  }
0x97: {  	_ =	strace $0x8FFFFFFF  }
0x98: {  	s19 =	sld [smem:$0x3FDB];
	_ =	sdelay $0x1  }
0x99: {  	s4 =	simm.s32 $_scs_section_size  }
0x9a: {  	s5 =	simm.s32 $_size__tile_overlayer_lowered;
	s6 =	simm.s32 $_tile_overlayer_lowered  }
0x9b: {  	s22 =	simm.s32 $0x1BFF;
	s21 =	sshll.u32 s6, $0x1;
	s3 =	sadd.s32 s4, s19  }
0x9c: {  	s7 =	simm.s32 $0x0;
	s20 =	sshll.u32 s5, $0x1;
	s5 =	sadd.s32 s21, s3  }
0x9d: {  	[timem:s7], [sflag:s22] =	dma.local [hbm:s5], s20  }
0x9e: {  	_ =	swait.ge [sflag:s22], s20  }
0x9f: {  	s4 =	ssub.s32 $0x0, s20;
	[sflag:s22] =	ssyncset.done $0x0  }
0xa0: {  	[sflag:s22] =	ssyncadd.s32 s4;
	_ =	sdelay $0x1  }
0xa1: {  	s23 =	simm.s32 $0x1B8B  }
0xa2: {  	_ =	swait.ge [sflag:s23], $0x1  }
0xa3: {  	[sflag:s23] =	ssyncset.done $0x0  }
0xa4: {  	s25 =	simm.s32 $0x1B8E;
	s24 =	sld [smem:$0x3FFE];
	[sflag:s23] =	ssyncadd.s32 $0xFFFFFFFF  }
0xa5: {  	s26 =	simm.s32 $execute0_lowered;
	[smem:$0x3FD2] =	sst s25  }
0xa6: {  	s5 =	sshll.u32 s26, $0x1;
	_ =	strace $0x80000046;
	[dreg:$0x1] =	wrdreg $0xFFFFFFFF  }
0xa7: {  	s28 =	simm.s32 $_size_execute0_lowered;
	s3 =	sadd.s32 s3, s5;
	[dreg:$0x0] =	wrdreg $0x0  }
0xa8: {  	s5 =	sshll.u32 s28, $0x1;
	[dreg:$0x2] =	wrdreg s3  }
0xa9: {  	[dreg:$0x3] =	wrdreg s5  }
0xaa: {  	[dreg:$0x4] =	wrdreg $0xC0  }
0xab: {  	_ =	task [dreg:s7], $0x5FFFF  }
0xac: {  	[dreg:$0x1] =	wrdreg $0xFFFFFFFF  }
0xad: {  	[dreg:$0x0] =	wrdreg $0x60  }
0xae: {  	[dreg:$0x2] =	wrdreg s24  }
0xaf: {  	[dreg:$0x3] =	wrdreg s2  }
0xb0: {  	[dreg:$0x4] =	wrdreg $0x9  }
0xb1: {  	_ =	task.clear_ibuf [dreg:s7], $0x5FFFF;
	_ =	strace $0x90000046  }
0xb2: {  	s29 =	simm.s32 $0x9;
	_ =	strace $0x80000048  }
0xb3: {  	_ =	swait.ge [sflag:s29], $0x1  }
0xb4: {  	[sflag:s29] =	ssyncadd.s32 $0xFFFFFFFF  }
0xb5: {  	_ =	strace $0x90000048  }
0xb6: {  	_ =	sfence  }
0xb7: {  	s30 =	sld [smem:$0x0];
	_ =	sdelay $0x2  }
0xb8: {  	s31 =	sshll.u32 s1, $0xD;
	s1 =	sshrl.u32 s1, $0x2  }
0xb9: {  	s3 =	sand.u32 $0x4000, s31;
	s1 =	sadd.s32 s1, s30  }
0xba: {  	s0 =	sor.u32 s3, s0;
	s1 =	sshll.u32 s1, $0x11  }
0xbb: {  	s0 =	sor.u32 s1, s0  }
0xbc: {  	s0 =	sadd.s32 $0x8F2B, s0  }
0xbd: {  	[sflag:s0] =	ssyncadd.remote.s32 $0x1  }
0xbe: {  	_ =	sfence.sel $0xFFFF  }
0xbf: {  	[dreg:$0x0] =	wrdreg $0xFFFFFFFF;
	(pc) =	sbr.abs _section_cstart, $3  }
0xc0: {  	[dreg:$0x1] =	wrdreg $0xFFFFFFFF  }
0xc1: {  	_ =	task.clear_ibuf [dreg:s7], $0x2FFFF;
	_ =	strace $0x9FFFFFFF  }
0xc2: {  	(tm) =	ssettm $0x7FFFFFFF  }
0xc3: {  	_ =	shalt  }
tec
execute0_lowered:
.L_overlay_start_1:
0x0: {  	(tag) =	ssettag $0x1  }
0x1: {  	s0 =	rddreg [dreg:$0x0]  }
0x2: {  	s2 =	rddreg [dreg:$0x1]  }
0x3: {  	s1 =	srdreg.scid;
	s3 =	stileid.u32;
	s5 =	simm.s32 $0x0  }
0x4: {  	s9 =	simm.s32 $0x80;
	s11 =	simm.s32 $0x9;
	s13 =	simm.s32 $0x9600  }
0x5: {  	s14 =	simm.s32 $0xB600;
	s16 =	simm.s32 $0xD600;
	s18 =	simm.s32 $0xF600  }
0x6: {  	s19 =	simm.s32 $0x1;
	s20 =	simm.s32 $0x11600;
	s21 =	simm.s32 $0x400  }
0x7: {  	s22 =	simm.s32 $0x8000;
	s23 =	simm.s32 $0x2;
	s24 =	simm.s32 $0x13600  }
0x8: {  	s28 =	simm.s32 $0x4;
	s29 =	simm.s32 $0x17600;
	s31 =	simm.s32 $0x6  }
0x9: {  	s10 =	simm.s32 $0x0;
	s1 =	sand.u32 $0x1, s1;
	s4 =	sshll.u32 s3, $0x1  }
0xa: {  	[smem:$0x7FF] =	sst s5;
	s25 =	sor.u32 s1, s4;
	s1 =	ssub.s32 $0x2, s1  }
0xb: {  	_ =	strace $0x80000047;
	s4 =	sshll.u32 s25, $0x4;
	s7 =	sshrl.u32 s1, $0x1  }
.Ltmp0:
0xc: {  	v0 =	vlaneseq.u32;
	s6 =	sadd.s32 s4, s0;
	s4 =	sadd.s32 $0x19C00, s0;
	(pc) =	sbr.rel .LBB2_1-.Ltmp0, $4  }
0xd: {  	v1 =	vshrl.u32 v0, $0x3;
	s0 =	sadd.s32 $0x400, s0;
	s26 =	ssub.s32 s1, s7;
	s7 =	sshll.u32 s25, $0xA  }
0xe: {  	v2 =	vand.u32 $0x7, v0;
	v3 =	vor.u32 $0x10, v0;
	v1 =	vmul.u32 $0x400, v1;
	s25 =	simm.s32 $0x3;
	[dreg:$0x3] =	wrdreg s0;
	s30 =	sadd.s32 $0xC00, s6  }
0xf: {  	v5 =	vor.u32 $0x20, v0;
	v7 =	vor.u32 $0x30, v0;
	v2 =	vmul.u32 $0x80, v2;
	s1 =	simm.s32 $0x8;
	s0 =	smax.u32 s26, $0x1;
	[dreg:$0x4] =	wrdreg s30  }
0x10: {  	v4 =	vor.u32 $0x800, v1;
	v6 =	vor.u32 $0x1000, v1;
	v8 =	vor.u32 $0x1800, v1;
	s26 =	simm.s32 $0x15600;
	[dreg:$0x5] =	wrdreg s0;
	s0 =	simm.s32 $0x7  }
.LBB2_12:
0x11: {  	s3 =	simm.s32 $0x5  }
0x12: {  	_ =	swait.ge [sflag:s3], $0x2000  }
0x13: {  	[sflag:s3] =	ssyncset.done $0x0  }
0x14: {  	[sflag:s3] =	ssyncadd.s32 $0xFFFFE000  }
0x15: {  	_ =	swait.ge [sflag:s31], $0x2000  }
0x16: {  	[sflag:s31] =	ssyncset.done $0x0  }
0x17: {  	[sflag:s31] =	ssyncadd.s32 $0xFFFFE000  }
0x18: {  	_ =	swait.ge [sflag:s0], $0x2000  }
0x19: {  	[sflag:s0] =	ssyncset.done $0x0  }
0x1a: {  	[sflag:s0] =	ssyncadd.s32 $0xFFFFE000  }
0x1b: {  	_ =	swait.ge [sflag:s1], $0x2000  }
0x1c: {  	s10 =	sadd.s32 $0x1, s10;
	s30 =	rddreg [dreg:$0x5]  }
0x1d: {  	p0 =	sne.s32 s10, s30  }
.Ltmp1:
0x1e: {  	_ = 	snop;
	(pc) =	sbr.rel @!p0 .LBB2_13-.Ltmp1, $3  }
0x1f: {  	_ =	sdelay $0x1  }
0x20: {  	[sflag:s1] =	ssyncset.done $0x0  }
0x21: {  	[sflag:s1] =	ssyncadd.s32 $0xFFFFE000  }
.LBB2_1:
0x22: {  	s3 =	simm.s32 $0x0;
	s5 =	rddreg [dreg:$0x4];
	s6 =	simm.s32 $0x1000  }
0x23: {  	[tilespmem:s3], [sflag:$0x9] =	stream.strided.gather [hbm4b:s5+s9], $0x6400, s6, s9, $0x38;
	[tilespmem:$0x19600] =	vst v63  }
0x24: {  	_ =	swait.ge [sflag:s11], $0x6400  }
0x25: {  	[sflag:s11] =	ssyncset.done $0x0  }
0x26: {  	s15 =	simm.s32 $0x6400;
	s12 =	rddreg [dreg:$0x3];
	[sflag:s11] =	ssyncadd.s32 $0xFFFF9C00  }
0x27: {  	[tilespmem:s15], [sflag:$0x9] =	stream.linear.gather [hbm4b:s12+s3], $0x3200, $0x38;
	[tilespmem:$0x19600] =	vst v63  }
0x28: {  	_ =	swait.ge [sflag:s11], $0x3200  }
0x29: {  	[sflag:s11] =	ssyncset.done $0x0  }
0x2a: {  	[sflag:s11] =	ssyncadd.s32 $0xFFFFCE00  }
0x2b: {  	[tilespmem:s13], [sflag:$0x1] =	stream.indirect.gather [hbm4b:s4+s9], $0x40, s3, s9, $0xb8;
	[tilespmem:$0x19600] =	vst v63  }
0x2c: {  	_ = 	snop  }
0x2d: {  	[tilespmem:s14], [sflag:$0x2] =	stream.indirect.gather [hbm4b:s4+s9], $0x40, s9, s9, $0xb8;
	[tilespmem:$0x19600] =	vst v63  }
0x2e: {  	s17 =	simm.s32 $0x100  }
0x2f: {  	[tilespmem:s16], [sflag:$0x3] =	stream.indirect.gather [hbm4b:s4+s9], $0x40, s17, s9, $0xb8;
	[tilespmem:$0x19600] =	vst v63  }
0x30: {  	s30 =	simm.s32 $0x180;
	s12 =	simm.s32 $0x0  }
0x31: {  	[tilespmem:s18], [sflag:$0x4] =	stream.indirect.gather [hbm4b:s4+s9], $0x40, s30, s9, $0xb8;
	[tilespmem:$0x19600] =	vst v63  }
.LBB2_2:
0x32: {  	s5 =	simm.s32 $0x2  }
0x33: {  	s17 =	simm.s32 $0x1;
	v9 =	vadd.s32 s5, v0  }
0x34: {  	_ =	swait.ge [sflag:s19], $0x2000;
	v12 =	vadd.s32 s17, v0;
	v10 =	vand.u32 $0x7F, v9  }
0x35: {  	p0 =	seq.s32 s12, $0x0;
	s6 =	simm.s32 $0x3;
	[sflag:s19] =	ssyncset.done $0x0;
	v13 =	vand.u32 $0x7F, v12;
	v15 =	vshll.u32 v10, $0x6  }
0x36: {  	s3 =	simm.s32 $0x0;
	s5 =	simm.s32 @!p0 $0x5;
	[sflag:s19] =	ssyncadd.s32 $0xFFFFE000;
	v21 =	vshll.u32 v13, $0x6;
	v14 =	vor.u32 v0, v15  }
0x37: {  	s15 =	sshll.u32 s12, $0x8;
	s8 =	simm.s32 $0x5;
	v17 =	vadd.s32 s6, v0;
	v22 =	vadd.s32 s3, v0;
	_ =	swait.ge @!p0 [sflag:s5], $0x2000;
	v16 =	vor.u32 v0, v21  }
0x38: {  	s30 =	sand.u32 $0x3FFFFF00, s15;
	s15 =	simm.s32 $0x6;
	v37 =	vadd.s32 s8, v0;
	v9 =	vand.u32 $0x7, v9;
	v18 =	vand.u32 $0x7F, v17;
	[sflag:s5] =	ssyncset.done @!p0 $0x0  }
0x39: {  	v12 =	vand.u32 $0x7, v12;
	v17 =	vand.u32 $0x7, v17;
	v38 =	vadd.s32 s15, v0;
	[sflag:s5] =	ssyncadd.s32 @!p0 $0xFFFFE000  }
0x3a: {  	v13 =	vor.u32 v2, v13;
	v10 =	vor.u32 v2, v10;
	v24 =	vshll.u32 v18, $0x6;
	v11 =	vld [tilespmem:s30+$0x6400]  }
0x3b: {  	v13 =	vand.u32 $0x3F8, v13;
	v10 =	vand.u32 $0x3F8, v10;
	v19 =	vor.u32 v0, v24;
	v20 =	vld.idx.msk [tilespmem:v14+s13+$0x0], $0xffff  }
0x3c: {  	v25 =	vor.u32 v9, v10;
	v23 =	vor.u32 v12, v13;
	v12 =	vld.idx.msk [tilespmem:v16+s13+$0x0], $0xffff;
	v16 =	vand.u32 $0x7F, v22  }
0x3d: {  	v30 =	vor.u32 v3, v21;
	v13 =	vor.u32 v1, v25;
	v26 =	vshll.u32 v16, $0x6  }
0x3e: {  	v31 =	vor.u32 v3, v24;
	v28 =	vor.u32 v1, v23;
	v29 =	vor.u32 v0, v26  }
0x3f: {  	v36 =	vor.u32 v5, v24;
	v9 =	vor.u32 v2, v18;
	v18 =	vor.u32 v3, v15;
	v10 =	vld [tilespmem:s30+$0x6420]  }
0x40: {  	v59 =	vor.u32 v7, v21;
	v27 =	vand.u32 $0x3F8, v9;
	v9 =	vld [tilespmem:s30+$0x6430];
	v20 =	vadd.f32 v20, v11  }
0x41: {  	s17 =	simm.s32 $0x7;
	v32 =	vor.u32 v4, v25;
	v40 =	vor.u32 v6, v25;
	v19 =	vld.idx.msk [tilespmem:v19+s13+$0x0], $0xffff;
	v12 =	vadd.f32 v12, v11  }
0x42: {  	v44 =	vadd.s32 s17, v0;
	v48 =	vor.u32 v6, v23;
	v25 =	vor.u32 v8, v25;
	v14 =	vld [tilespmem:s30+$0x6410];
	[tilespmem:v13+s20+$0x0] =	vst.idx.msk $0xffff, v20  }
0x43: {  	v27 =	vor.u32 v17, v27;
	v13 =	vor.u32 v2, v16;
	[tilespmem:v28+s20+$0x0] =	vst.idx.msk $0xffff, v12;
	v28 =	vld.idx.msk [tilespmem:v29+s13+$0x0], $0xffff  }
0x44: {  	v22 =	vand.u32 $0x7, v22;
	v20 =	vor.u32 v1, v27;
	v16 =	vld.idx.msk [tilespmem:v18+s13+$0x0], $0xffff;
	v18 =	vand.u32 $0x3F8, v13  }
0x45: {  	v17 =	vor.u32 v4, v23;
	v39 =	vor.u32 v4, v27;
	v29 =	vld.idx.msk [tilespmem:v30+s13+$0x0], $0xffff;
	v33 =	vor.u32 v22, v18  }
0x46: {  	v35 =	vor.u32 v3, v26;
	v19 =	vadd.f32 v19, v11;
	v22 =	vor.u32 v1, v33  }
0x47: {  	v12 =	vor.u32 v8, v27;
	v27 =	vor.u32 v6, v27;
	v13 =	vor.u32 v8, v23  }
0x48: {  	s30 =	simm.s32 $0x4;
	v30 =	vor.u32 v7, v15;
	v18 =	vor.u32 v5, v21;
	v34 =	vor.u32 v4, v33  }
0x49: {  	v47 =	vadd.s32 s30, v0;
	[tilespmem:v20+s20+$0x0] =	vst.idx.msk $0xffff, v19;
	v19 =	vadd.f32 v28, v11;
	v20 =	vor.u32 v5, v15  }
0x4a: {  	v28 =	vor.u32 v5, v26;
	v26 =	vor.u32 v7, v26;
	v29 =	vadd.f32 v29, v14  }
0x4b: {  	v16 =	vadd.f32 v16, v14;
	v31 =	vld.idx.msk [tilespmem:v31+s13+$0x0], $0xffff;
	[tilespmem:v22+s20+$0x0] =	vst.idx.msk $0xffff, v19;
	v19 =	vand.u32 $0x7F, v37;
	v22 =	vand.u32 $0x7F, v38  }
0x4c: {  	v38 =	vand.u32 $0x7, v38;
	[tilespmem:v17+s20+$0x0] =	vst.idx.msk $0xffff, v29;
	v17 =	vand.u32 $0x7, v37;
	v15 =	vshll.u32 v19, $0x6  }
0x4d: {  	v35 =	vld.idx.msk [tilespmem:v35+s13+$0x0], $0xffff;
	v41 =	vshll.u32 v22, $0x6;
	v19 =	vor.u32 v2, v19;
	v22 =	vor.u32 v2, v22  }
0x4e: {  	v42 =	vor.u32 v0, v15;
	v43 =	vor.u32 v0, v41;
	v19 =	vand.u32 $0x3F8, v19  }
0x4f: {  	[tilespmem:v32+s20+$0x0] =	vst.idx.msk $0xffff, v16;
	v16 =	vand.u32 $0x3F8, v22;
	v22 =	vand.u32 $0x7F, v44;
	v63 =	vor.u32 v3, v41  }
0x50: {  	v54 =	vor.u32 v3, v15;
	v21 =	vor.u32 v7, v41;
	v31 =	vadd.f32 v31, v14  }
0x51: {  	v29 =	vld.idx.msk [tilespmem:v18+s13+$0x0], $0xffff;
	v16 =	vor.u32 v38, v16;
	v17 =	vor.u32 v17, v19;
	v18 =	vshll.u32 v22, $0x6  }
0x52: {  	v32 =	vld.idx.msk [tilespmem:v20+s13+$0x0], $0xffff;
	v20 =	vor.u32 v2, v22;
	v22 =	vand.u32 $0x7, v44;
	v19 =	vadd.f32 v35, v14  }
0x53: {  	v60 =	vor.u32 v1, v16;
	v61 =	vor.u32 v0, v18;
	v20 =	vand.u32 $0x3F8, v20;
	v52 =	vld.idx.msk [tilespmem:v43+s13+$0x0], $0xffff  }
0x54: {  	v53 =	vor.u32 v1, v17;
	v46 =	vor.u32 v3, v18;
	v62 =	vld.idx.msk [tilespmem:v42+s13+$0x0], $0xffff;
	[tilespmem:v34+s20+$0x0] =	vst.idx.msk $0xffff, v19  }
0x55: {  	v20 =	vor.u32 v22, v20;
	v22 =	vor.u32 v4, v17;
	v19 =	vand.u32 $0x7F, v47;
	v28 =	vld.idx.msk [tilespmem:v28+s13+$0x0], $0xffff  }
0x56: {  	[tilespmem:v39+s20+$0x0] =	vst.idx.msk $0xffff, v31;
	v29 =	vadd.f32 v29, v10;
	v56 =	vor.u32 v2, v19;
	v19 =	vshll.u32 v19, $0x6  }
0x57: {  	v31 =	vor.u32 v6, v33;
	v23 =	vadd.f32 v32, v10;
	v57 =	vor.u32 v0, v19  }
0x58: {  	v33 =	vor.u32 v8, v33;
	[tilespmem:v48+s20+$0x0] =	vst.idx.msk $0xffff, v29;
	v55 =	vld.idx.msk [tilespmem:v61+s13+$0x0], $0xffff;
	v34 =	vadd.f32 v52, v11  }
0x59: {  	v45 =	vor.u32 v1, v20;
	v36 =	vld.idx.msk [tilespmem:v36+s13+$0x0], $0xffff;
	[tilespmem:v40+s20+$0x0] =	vst.idx.msk $0xffff, v23;
	v38 =	vadd.f32 v62, v11  }
0x5a: {  	v29 =	vor.u32 v5, v15;
	v58 =	vld.idx.msk [tilespmem:v30+s13+$0x0], $0xffff;
	v28 =	vadd.f32 v28, v10;
	[tilespmem:v60+s20+$0x0] =	vst.idx.msk $0xffff, v34  }
0x5b: {  	v23 =	vor.u32 v8, v20;
	v61 =	vor.u32 v4, v16;
	[tilespmem:v53+s20+$0x0] =	vst.idx.msk $0xffff, v38;
	v35 =	vld.idx.msk [tilespmem:v63+s13+$0x0], $0xffff  }
0x5c: {  	v30 =	vand.u32 $0x3F8, v56;
	v39 =	vld.idx.msk [tilespmem:v57+s13+$0x0], $0xffff;
	[tilespmem:v31+s20+$0x0] =	vst.idx.msk $0xffff, v28;
	v31 =	vor.u32 v7, v24  }
0x5d: {  	v32 =	vadd.f32 v55, v11;
	v38 =	vor.u32 v3, v19;
	v28 =	vand.u32 $0x7, v47;
	v60 =	vld.idx.msk [tilespmem:v26+s13+$0x0], $0xffff  }
0x5e: {  	v34 =	vor.u32 v5, v41;
	v26 =	vadd.f32 v36, v10;
	v30 =	vor.u32 v28, v30;
	v36 =	vld.idx.msk [tilespmem:v54+s13+$0x0], $0xffff  }
0x5f: {  	v62 =	vadd.f32 v58, v9;
	[tilespmem:v45+s20+$0x0] =	vst.idx.msk $0xffff, v32;
	v37 =	vor.u32 v1, v30  }
0x60: {  	v24 =	vor.u32 v8, v17;
	[tilespmem:v27+s20+$0x0] =	vst.idx.msk $0xffff, v26;
	v27 =	vld.idx.msk [tilespmem:v59+s13+$0x0], $0xffff;
	v63 =	vadd.f32 v35, v14  }
0x61: {  	[tilespmem:v25+s20+$0x0] =	vst.idx.msk $0xffff, v62;
	v28 =	vor.u32 v4, v30;
	v26 =	vor.u32 v5, v18;
	v31 =	vld.idx.msk [tilespmem:v31+s13+$0x0], $0xffff  }
0x62: {  	s15 =	sshll.u32 s12, $0x2;
	s5 =	simm.s32 $0x8;
	v35 =	vld.idx.msk [tilespmem:v46+s13+$0x0], $0xffff;
	v39 =	vadd.f32 v39, v11;
	v32 =	vadd.f32 v60, v9;
	[tilespmem:v61+s20+$0x0] =	vst.idx.msk $0xffff, v63  }
.LBB2_3:
0x63: {  	s6 =	sadd.s32 $0x1, s5;
	s17 =	sadd.s32 $0x2, s5;
	s8 =	sadd.s32 $0x3, s5;
	v40 =	vor.u32 v5, v19;
	v36 =	vadd.f32 v36, v14;
	v41 =	vor.u32 v4, v20;
	v25 =	vmovc v30  }
0x64: {  	p1 =	slt.u32 s5, $0x7C;
	v30 =	vadd.s32 s6, v0;
	v42 =	vadd.s32 s17, v0;
	[tilespmem:v37+s20+$0x0] =	vst.idx.msk $0xffff, v39;
	v37 =	vor.u32 v6, v16;
	s6 =	smov.u32 s5;
	s5 =	sadd.s32 $0x4, s5  }
0x65: {  	v39 =	vand.u32 $0x7F, v30;
	v43 =	vand.u32 $0x7F, v42;
	v42 =	vand.u32 $0x7, v42;
	v38 =	vld.idx.msk [tilespmem:v38+s13+$0x0], $0xffff;
	[tilespmem:v22+s20+$0x0] =	vst.idx.msk $0xffff, v36  }
0x66: {  	v22 =	vadd.f32 v31, v9;
	v36 =	vshll.u32 v39, $0x6;
	v44 =	vshll.u32 v43, $0x6;
	v29 =	vld.idx.msk [tilespmem:v29+s13+$0x0], $0xffff;
	[tilespmem:v33+s20+$0x0] =	vst.idx.msk $0xffff, v32  }
0x67: {  	v27 =	vadd.f32 v27, v9;
	v31 =	vor.u32 v0, v36;
	v32 =	vor.u32 v0, v44  }
0x68: {  	v33 =	vor.u32 v2, v39;
	v39 =	vor.u32 v2, v43;
	v43 =	vadd.s32 s8, v0;
	[tilespmem:v12+s20+$0x0] =	vst.idx.msk $0xffff, v22  }
0x69: {  	v35 =	vadd.f32 v35, v14;
	v22 =	vand.u32 $0x3F8, v33;
	v33 =	vand.u32 $0x3F8, v39;
	v12 =	vmovc v23;
	[tilespmem:v13+s20+$0x0] =	vst.idx.msk $0xffff, v27  }
0x6a: {  	v23 =	vand.u32 $0x7, v30;
	v30 =	vand.u32 $0x7F, v43;
	v27 =	vor.u32 v42, v33;
	v13 =	vmovc v24  }
0x6b: {  	v23 =	vor.u32 v23, v22;
	v39 =	vshll.u32 v30, $0x6;
	v22 =	vadd.f32 v38, v14;
	v24 =	vld.idx.msk [tilespmem:v34+s13+$0x0], $0xffff  }
0x6c: {  	v30 =	vor.u32 v2, v30;
	v33 =	vor.u32 v1, v27;
	v34 =	vor.u32 v0, v39;
	v31 =	vld.idx.msk [tilespmem:v31+s13+$0x0], $0xffff  }
0x6d: {  	v42 =	vand.u32 $0x7, v43;
	v38 =	vor.u32 v3, v44;
	v30 =	vand.u32 $0x3F8, v30;
	v32 =	vld.idx.msk [tilespmem:v32+s13+$0x0], $0xffff;
	[tilespmem:v28+s20+$0x0] =	vst.idx.msk $0xffff, v22  }
0x6e: {  	v43 =	vor.u32 v3, v36;
	v42 =	vor.u32 v42, v30;
	v28 =	vor.u32 v1, v23;
	v30 =	vld.idx.msk [tilespmem:v40+s13+$0x0], $0xffff  }
0x6f: {  	v45 =	vor.u32 v3, v39;
	v22 =	vor.u32 v4, v23;
	v40 =	vor.u32 v1, v42  }
0x70: {  	v47 =	vor.u32 v7, v19;
	v48 =	vor.u32 v6, v17;
	v46 =	vadd.s32 s6, v0;
	[tilespmem:v41+s20+$0x0] =	vst.idx.msk $0xffff, v35  }
0x71: {  	v19 =	vand.u32 $0x7F, v46;
	v17 =	vmovc v23;
	v35 =	vor.u32 v6, v25;
	v24 =	vadd.f32 v24, v10;
	v34 =	vld.idx.msk [tilespmem:v34+s13+$0x0], $0xffff  }
0x72: {  	v23 =	vor.u32 v2, v19;
	v19 =	vshll.u32 v19, $0x6;
	v31 =	vadd.f32 v31, v11;
	v26 =	vld.idx.msk [tilespmem:v26+s13+$0x0], $0xffff  }
0x73: {  	v49 =	vand.u32 $0x3F8, v23;
	v41 =	vor.u32 v0, v19;
	v23 =	vadd.f32 v32, v11;
	[tilespmem:v37+s20+$0x0] =	vst.idx.msk $0xffff, v24  }
0x74: {  	v24 =	vadd.f32 v30, v10;
	[tilespmem:v28+s20+$0x0] =	vst.idx.msk $0xffff, v31;
	v28 =	vadd.f32 v29, v10;
	v31 =	vld.idx.msk [tilespmem:v21+s13+$0x0], $0xffff  }
0x75: {  	v20 =	vor.u32 v6, v20;
	v32 =	vor.u32 v7, v15;
	v15 =	vmov v36;
	[tilespmem:v33+s20+$0x0] =	vst.idx.msk $0xffff, v23  }
0x76: {  	v18 =	vor.u32 v7, v18;
	v23 =	vor.u32 v8, v42;
	v33 =	vld.idx.msk [tilespmem:v38+s13+$0x0], $0xffff;
	[tilespmem:v35+s20+$0x0] =	vst.idx.msk $0xffff, v24  }
0x77: {  	v34 =	vadd.f32 v34, v11;
	v47 =	vld.idx.msk [tilespmem:v47+s13+$0x0], $0xffff;
	[tilespmem:v48+s20+$0x0] =	vst.idx.msk $0xffff, v28;
	v48 =	vor.u32 v8, v16  }
0x78: {  	v21 =	vor.u32 v7, v44;
	v24 =	vor.u32 v8, v17;
	v26 =	vadd.f32 v26, v10;
	v41 =	vld.idx.msk [tilespmem:v41+s13+$0x0], $0xffff  }
0x79: {  	v29 =	vor.u32 v5, v15;
	v28 =	vand.u32 $0x7, v46;
	v16 =	vmovc v27;
	v36 =	vld.idx.msk [tilespmem:v43+s13+$0x0], $0xffff;
	v43 =	vor.u32 v4, v27  }
.Ltmp2:
0x7a: {  	v30 =	vor.u32 v28, v49;
	v27 =	vld.idx.msk [tilespmem:v32+s13+$0x0], $0xffff;
	v32 =	vadd.f32 v31, v9;
	[tilespmem:v20+s20+$0x0] =	vst.idx.msk $0xffff, v26;
	(pc) =	sbr.rel @p1 .LBB2_3-.Ltmp2, $4  }
0x7b: {  	v37 =	vor.u32 v1, v30;
	v28 =	vor.u32 v4, v30;
	[tilespmem:v40+s20+$0x0] =	vst.idx.msk $0xffff, v34;
	v31 =	vld.idx.msk [tilespmem:v18+s13+$0x0], $0xffff  }
0x7c: {  	v38 =	vor.u32 v3, v19;
	v40 =	vadd.f32 v33, v14;
	v35 =	vld.idx.msk [tilespmem:v45+s13+$0x0], $0xffff;
	[tilespmem:v48+s20+$0x0] =	vst.idx.msk $0xffff, v32  }
0x7d: {  	v26 =	vor.u32 v5, v39;
	v33 =	vor.u32 v8, v25;
	v18 =	vmovc v39;
	v32 =	vadd.f32 v47, v9  }
0x7e: {  	v20 =	vmov v42;
	v34 =	vor.u32 v5, v44;
	v39 =	vadd.f32 v41, v11;
	[tilespmem:v43+s20+$0x0] =	vst.idx.msk $0xffff, v40  }
0x7f: {  	_ =	sdelay $0x3  }
0x80: {  	[tilespmem:v37+s20+$0x0] =	vst.idx.msk $0xffff, v39  }
0x81: {  	v11 =	vld.idx.msk [tilespmem:v38+s13+$0x0], $0xffff;
	_ =	sdelay $0x2  }
0x82: {  	v25 =	vor.u32 v5, v19;
	v53 =	vor.u32 v4, v20;
	_ =	sdelay $0x1  }
0x83: {  	v11 =	vadd.f32 v11, v14  }
0x84: {  	v35 =	vadd.f32 v35, v14  }
0x85: {  	v34 =	vld.idx.msk [tilespmem:v34+s13+$0x0], $0xffff;
	v14 =	vadd.f32 v36, v14;
	[tilespmem:v28+s20+$0x0] =	vst.idx.msk $0xffff, v11  }
0x86: {  	[tilespmem:v53+s20+$0x0] =	vst.idx.msk $0xffff, v35;
	v11 =	vld.idx.msk [tilespmem:v25+s13+$0x0], $0xffff  }
0x87: {  	[tilespmem:v22+s20+$0x0] =	vst.idx.msk $0xffff, v14;
	v14 =	vld.idx.msk [tilespmem:v26+s13+$0x0], $0xffff;
	v25 =	vor.u32 v6, v16  }
0x88: {  	v26 =	vor.u32 v6, v30;
	v22 =	vld.idx.msk [tilespmem:v29+s13+$0x0], $0xffff  }
0x89: {  	v19 =	vor.u32 v7, v19;
	v20 =	vor.u32 v6, v20  }
0x8a: {  	v17 =	vor.u32 v6, v17;
	v18 =	vor.u32 v7, v18;
	v28 =	vadd.f32 v34, v10  }
0x8b: {  	v15 =	vor.u32 v7, v15;
	v11 =	vadd.f32 v11, v10  }
0x8c: {  	v14 =	vadd.f32 v14, v10;
	[tilespmem:v25+s20+$0x0] =	vst.idx.msk $0xffff, v28  }
0x8d: {  	v10 =	vadd.f32 v22, v10;
	v21 =	vld.idx.msk [tilespmem:v21+s13+$0x0], $0xffff;
	[tilespmem:v26+s20+$0x0] =	vst.idx.msk $0xffff, v11  }
0x8e: {  	[tilespmem:v20+s20+$0x0] =	vst.idx.msk $0xffff, v14;
	v11 =	vld.idx.msk [tilespmem:v19+s13+$0x0], $0xffff  }
0x8f: {  	[tilespmem:v17+s20+$0x0] =	vst.idx.msk $0xffff, v10;
	v10 =	vor.u32 v8, v16;
	v14 =	vld.idx.msk [tilespmem:v18+s13+$0x0], $0xffff  }
0x90: {  	v16 =	vadd.f32 v31, v9;
	v17 =	vor.u32 v8, v30;
	v15 =	vld.idx.msk [tilespmem:v15+s13+$0x0], $0xffff  }
0x91: {  	[tilespmem:v33+s20+$0x0] =	vst.idx.msk $0xffff, v32;
	v18 =	vadd.f32 v27, v9  }
0x92: {  	[tilespmem:v12+s20+$0x0] =	vst.idx.msk $0xffff, v16;
	v12 =	vadd.f32 v21, v9  }
0x93: {  	[tilespmem:v13+s20+$0x0] =	vst.idx.msk $0xffff, v18;
	v11 =	vadd.f32 v11, v9  }
0x94: {  	s5 =	sshll.u32 s12, $0x14;
	[tilespmem:v10+s20+$0x0] =	vst.idx.msk $0xffff, v12;
	v10 =	vadd.f32 v14, v9  }
0x95: {  	s5 =	sor.u32 s7, s5;
	v9 =	vadd.f32 v15, v9;
	[tilespmem:v17+s20+$0x0] =	vst.idx.msk $0xffff, v11  }
0x96: {  	s5 =	sshrl.u32 s5, $0x3;
	[tilespmem:v23+s20+$0x0] =	vst.idx.msk $0xffff, v10  }
0x97: {  	p1 =	seq.s32 s12, $0x31;
	s5 =	sadd.s32 s2, s5;
	[tilespmem:v24+s20+$0x0] =	vst.idx.msk $0xffff, v9  }
0x98: {  	[hbm4b:s5+s21] =	stream.strided.scatter [tilespmem:s20], [sflag:$0x5], $0x2000, s22, s21, $0x38;
	[tilespmem:$0x19600] =	vst v63  }
0x99: {  	s5 =	sshll.u32 @!p1 s12, $0x9  }
0x9a: {  	s3 =	simm.s32 $0x2;
	s17 =	sand.u32 @!p1 $0x3FFFFE00, s5  }
0x9b: {  	s6 =	simm.s32 @!p1 $0x80;
	s8 =	simm.s32 @!p1 $0x9600;
	s5 =	sadd.s32 @!p1 $0x200, s17  }
0x9c: {  	v9 =	vadd.s32 s3, v0;
	[tilespmem:s8], [sflag:$0x1] =	stream.indirect.gather @!p1 [hbm4b:s4+s6], $0x40, s5, s6, $0xb8;
	[tilespmem:$0x19600] =	vst v63  }
0x9d: {  	v10 =	vand.u32 $0x7F, v9;
	s6 =	simm.s32 $0x1;
	_ =	swait.ge [sflag:s23], $0x2000  }
0x9e: {  	v15 =	vshll.u32 v10, $0x6;
	v12 =	vadd.s32 s6, v0;
	[sflag:s23] =	ssyncset.done $0x0  }
0x9f: {  	s3 =	simm.s32 @!p0 $0x6;
	v10 =	vor.u32 v2, v10;
	v14 =	vor.u32 v0, v15;
	v13 =	vand.u32 $0x7F, v12;
	[sflag:s23] =	ssyncadd.s32 $0xFFFFE000  }
0xa0: {  	v9 =	vand.u32 $0x7, v9;
	v10 =	vand.u32 $0x3F8, v10;
	s5 =	sor.u32 $0x1, s15;
	v21 =	vshll.u32 v13, $0x6;
	_ =	swait.ge @!p0 [sflag:s3], $0x2000  }
0xa1: {  	s8 =	simm.s32 $0x3;
	v25 =	vor.u32 v9, v10;
	s30 =	sshll.u32 s5, $0x6;
	v16 =	vor.u32 v0, v21;
	[sflag:s3] =	ssyncset.done @!p0 $0x0  }
0xa2: {  	v17 =	vadd.s32 s8, v0;
	v54 =	vor.u32 v4, v25;
	s8 =	sand.u32 $0x3FFFFFC0, s30;
	[sflag:s3] =	ssyncadd.s32 @!p0 $0xFFFFE000  }
0xa3: {  	v40 =	vor.u32 v6, v25;
	v18 =	vand.u32 $0x7F, v17;
	v12 =	vand.u32 $0x7, v12;
	v11 =	vld [tilespmem:s8+$0x6400]  }
0xa4: {  	s30 =	simm.s32 $0x0;
	v17 =	vand.u32 $0x7, v17;
	v13 =	vor.u32 v2, v13;
	v24 =	vshll.u32 v18, $0x6;
	v20 =	vld.idx.msk [tilespmem:v14+s14+$0x0], $0xffff  }
0xa5: {  	v22 =	vadd.s32 s30, v0;
	v13 =	vand.u32 $0x3F8, v13;
	v19 =	vor.u32 v0, v24  }
0xa6: {  	v23 =	vor.u32 v12, v13;
	v13 =	vor.u32 v1, v25;
	v12 =	vld.idx.msk [tilespmem:v16+s14+$0x0], $0xffff;
	v16 =	vand.u32 $0x7F, v22  }
0xa7: {  	v9 =	vor.u32 v2, v18;
	v18 =	vor.u32 v3, v15;
	v26 =	vshll.u32 v16, $0x6  }
0xa8: {  	v27 =	vand.u32 $0x3F8, v9;
	v28 =	vor.u32 v1, v23;
	v14 =	vld [tilespmem:s8+$0x6410];
	v29 =	vor.u32 v0, v26  }
0xa9: {  	s30 =	simm.s32 $0x6;
	v30 =	vor.u32 v3, v21;
	v31 =	vor.u32 v3, v24;
	v10 =	vld [tilespmem:s8+$0x6420];
	v20 =	vadd.f32 v20, v11  }
0xaa: {  	v36 =	vor.u32 v5, v24;
	v58 =	vadd.s32 s30, v0;
	v27 =	vor.u32 v17, v27;
	v9 =	vld [tilespmem:s8+$0x6430]  }
0xab: {  	s30 =	simm.s32 $0x4;
	v38 =	vand.u32 $0x7, v58;
	v19 =	vld.idx.msk [tilespmem:v19+s14+$0x0], $0xffff;
	v12 =	vadd.f32 v12, v11;
	[tilespmem:v13+s24+$0x0] =	vst.idx.msk $0xffff, v20  }
0xac: {  	v47 =	vadd.s32 s30, v0;
	v25 =	vor.u32 v8, v25;
	v13 =	vor.u32 v2, v16;
	v16 =	vld.idx.msk [tilespmem:v18+s14+$0x0], $0xffff  }
0xad: {  	v22 =	vand.u32 $0x7, v22;
	v20 =	vor.u32 v1, v27;
	v18 =	vand.u32 $0x3F8, v13;
	[tilespmem:v28+s24+$0x0] =	vst.idx.msk $0xffff, v12;
	v28 =	vld.idx.msk [tilespmem:v29+s14+$0x0], $0xffff  }
0xae: {  	v17 =	vor.u32 v4, v23;
	v59 =	vor.u32 v4, v27;
	s8 =	simm.s32 $0x5;
	v33 =	vor.u32 v22, v18  }
0xaf: {  	v48 =	vor.u32 v6, v23;
	v57 =	vadd.s32 s8, v0;
	v22 =	vor.u32 v1, v33  }
0xb0: {  	v56 =	vor.u32 v3, v26;
	v19 =	vadd.f32 v19, v11;
	v13 =	vor.u32 v8, v23;
	v29 =	vld.idx.msk [tilespmem:v30+s14+$0x0], $0xffff  }
0xb1: {  	s8 =	simm.s32 $0x7;
	v12 =	vor.u32 v8, v27;
	v18 =	vor.u32 v5, v21;
	v27 =	vor.u32 v6, v27  }
0xb2: {  	v44 =	vadd.s32 s8, v0;
	v30 =	vor.u32 v7, v15;
	[tilespmem:v20+s24+$0x0] =	vst.idx.msk $0xffff, v19;
	v19 =	vadd.f32 v28, v11  }
0xb3: {  	v55 =	vor.u32 v4, v33;
	v20 =	vor.u32 v5, v15;
	v16 =	vadd.f32 v16, v14;
	v31 =	vld.idx.msk [tilespmem:v31+s14+$0x0], $0xffff  }
0xb4: {  	v28 =	vor.u32 v5, v26;
	v26 =	vor.u32 v7, v26;
	[tilespmem:v22+s24+$0x0] =	vst.idx.msk $0xffff, v19;
	v19 =	vand.u32 $0x7F, v57  }
0xb5: {  	v29 =	vadd.f32 v29, v14;
	v22 =	vand.u32 $0x7F, v58;
	v15 =	vshll.u32 v19, $0x6  }
0xb6: {  	v35 =	vld.idx.msk [tilespmem:v56+s14+$0x0], $0xffff;
	v41 =	vshll.u32 v22, $0x6;
	v19 =	vor.u32 v2, v19;
	v22 =	vor.u32 v2, v22  }
0xb7: {  	[tilespmem:v17+s24+$0x0] =	vst.idx.msk $0xffff, v29;
	v17 =	vand.u32 $0x7, v57;
	v42 =	vor.u32 v0, v15;
	v43 =	vor.u32 v0, v41  }
0xb8: {  	[tilespmem:v54+s24+$0x0] =	vst.idx.msk $0xffff, v16;
	v19 =	vand.u32 $0x3F8, v19;
	v16 =	vand.u32 $0x3F8, v22;
	v31 =	vadd.f32 v31, v14  }
0xb9: {  	v32 =	vld.idx.msk [tilespmem:v20+s14+$0x0], $0xffff;
	v22 =	vand.u32 $0x7F, v44;
	v63 =	vor.u32 v3, v41;
	v54 =	vor.u32 v3, v15  }
0xba: {  	v29 =	vld.idx.msk [tilespmem:v18+s14+$0x0], $0xffff;
	v16 =	vor.u32 v38, v16;
	v17 =	vor.u32 v17, v19;
	v18 =	vshll.u32 v22, $0x6  }
0xbb: {  	v20 =	vor.u32 v2, v22;
	v22 =	vand.u32 $0x7, v44;
	v60 =	vor.u32 v1, v16  }
0xbc: {  	v61 =	vor.u32 v0, v18;
	v20 =	vand.u32 $0x3F8, v20;
	v19 =	vadd.f32 v35, v14  }
0xbd: {  	v53 =	vor.u32 v1, v17;
	v46 =	vor.u32 v3, v18;
	[tilespmem:v59+s24+$0x0] =	vst.idx.msk $0xffff, v31;
	v52 =	vld.idx.msk [tilespmem:v43+s14+$0x0], $0xffff  }
0xbe: {  	v31 =	vor.u32 v6, v33;
	v59 =	vor.u32 v7, v21;
	v62 =	vld.idx.msk [tilespmem:v42+s14+$0x0], $0xffff;
	[tilespmem:v55+s24+$0x0] =	vst.idx.msk $0xffff, v19  }
0xbf: {  	v21 =	vor.u32 v7, v41;
	v23 =	vadd.f32 v32, v10;
	v19 =	vand.u32 $0x7F, v47;
	v28 =	vld.idx.msk [tilespmem:v28+s14+$0x0], $0xffff  }
0xc0: {  	v33 =	vor.u32 v8, v33;
	v56 =	vor.u32 v2, v19;
	v19 =	vshll.u32 v19, $0x6  }
0xc1: {  	v29 =	vadd.f32 v29, v10;
	[tilespmem:v40+s24+$0x0] =	vst.idx.msk $0xffff, v23;
	v55 =	vld.idx.msk [tilespmem:v61+s14+$0x0], $0xffff;
	v57 =	vor.u32 v0, v19  }
0xc2: {  	v20 =	vor.u32 v22, v20;
	v22 =	vor.u32 v4, v17;
	v58 =	vld.idx.msk [tilespmem:v30+s14+$0x0], $0xffff;
	v34 =	vadd.f32 v52, v11  }
0xc3: {  	v36 =	vld.idx.msk [tilespmem:v36+s14+$0x0], $0xffff;
	v45 =	vor.u32 v1, v20;
	[tilespmem:v48+s24+$0x0] =	vst.idx.msk $0xffff, v29;
	v38 =	vadd.f32 v62, v11  }
0xc4: {  	v23 =	vor.u32 v8, v20;
	v28 =	vadd.f32 v28, v10;
	[tilespmem:v60+s24+$0x0] =	vst.idx.msk $0xffff, v34  }
0xc5: {  	v29 =	vor.u32 v5, v15;
	v61 =	vor.u32 v4, v16;
	[tilespmem:v53+s24+$0x0] =	vst.idx.msk $0xffff, v38;
	v35 =	vld.idx.msk [tilespmem:v63+s14+$0x0], $0xffff  }
0xc6: {  	v30 =	vand.u32 $0x3F8, v56;
	v39 =	vld.idx.msk [tilespmem:v57+s14+$0x0], $0xffff;
	[tilespmem:v31+s24+$0x0] =	vst.idx.msk $0xffff, v28;
	v31 =	vor.u32 v7, v24  }
0xc7: {  	v32 =	vadd.f32 v55, v11;
	v62 =	vadd.f32 v58, v9;
	v28 =	vand.u32 $0x7, v47;
	v60 =	vld.idx.msk [tilespmem:v26+s14+$0x0], $0xffff  }
0xc8: {  	v38 =	vor.u32 v3, v19;
	v26 =	vadd.f32 v36, v10;
	v30 =	vor.u32 v28, v30;
	v36 =	vld.idx.msk [tilespmem:v54+s14+$0x0], $0xffff  }
0xc9: {  	v34 =	vor.u32 v5, v41;
	[tilespmem:v45+s24+$0x0] =	vst.idx.msk $0xffff, v32;
	v37 =	vor.u32 v1, v30  }
0xca: {  	v24 =	vor.u32 v8, v17;
	[tilespmem:v27+s24+$0x0] =	vst.idx.msk $0xffff, v26;
	v27 =	vld.idx.msk [tilespmem:v59+s14+$0x0], $0xffff;
	v63 =	vadd.f32 v35, v14  }
0xcb: {  	[tilespmem:v25+s24+$0x0] =	vst.idx.msk $0xffff, v62;
	v28 =	vor.u32 v4, v30;
	v26 =	vor.u32 v5, v18;
	v31 =	vld.idx.msk [tilespmem:v31+s14+$0x0], $0xffff  }
0xcc: {  	s6 =	simm.s32 $0x8;
	v35 =	vld.idx.msk [tilespmem:v46+s14+$0x0], $0xffff;
	v39 =	vadd.f32 v39, v11;
	v32 =	vadd.f32 v60, v9;
	[tilespmem:v61+s24+$0x0] =	vst.idx.msk $0xffff, v63  }
.LBB2_5:
0xcd: {  	s3 =	sadd.s32 $0x1, s6;
	s8 =	sadd.s32 $0x2, s6;
	s30 =	sadd.s32 $0x3, s6;
	v40 =	vor.u32 v5, v19;
	v36 =	vadd.f32 v36, v14;
	v41 =	vor.u32 v4, v20;
	v25 =	vmovc v30  }
0xce: {  	p2 =	slt.u32 s6, $0x7C;
	v30 =	vadd.s32 s3, v0;
	v42 =	vadd.s32 s8, v0;
	[tilespmem:v37+s24+$0x0] =	vst.idx.msk $0xffff, v39;
	v37 =	vor.u32 v6, v16;
	s3 =	smov.u32 s6;
	s6 =	sadd.s32 $0x4, s6  }
0xcf: {  	v39 =	vand.u32 $0x7F, v30;
	v43 =	vand.u32 $0x7F, v42;
	v42 =	vand.u32 $0x7, v42;
	v38 =	vld.idx.msk [tilespmem:v38+s14+$0x0], $0xffff;
	[tilespmem:v22+s24+$0x0] =	vst.idx.msk $0xffff, v36  }
0xd0: {  	v22 =	vadd.f32 v31, v9;
	v36 =	vshll.u32 v39, $0x6;
	v44 =	vshll.u32 v43, $0x6;
	v29 =	vld.idx.msk [tilespmem:v29+s14+$0x0], $0xffff;
	[tilespmem:v33+s24+$0x0] =	vst.idx.msk $0xffff, v32  }
0xd1: {  	v27 =	vadd.f32 v27, v9;
	v31 =	vor.u32 v0, v36;
	v32 =	vor.u32 v0, v44  }
0xd2: {  	v33 =	vor.u32 v2, v39;
	v39 =	vor.u32 v2, v43;
	v43 =	vadd.s32 s30, v0;
	[tilespmem:v12+s24+$0x0] =	vst.idx.msk $0xffff, v22  }
0xd3: {  	v35 =	vadd.f32 v35, v14;
	v22 =	vand.u32 $0x3F8, v33;
	v33 =	vand.u32 $0x3F8, v39;
	v12 =	vmovc v23;
	[tilespmem:v13+s24+$0x0] =	vst.idx.msk $0xffff, v27  }
0xd4: {  	v23 =	vand.u32 $0x7, v30;
	v30 =	vand.u32 $0x7F, v43;
	v27 =	vor.u32 v42, v33;
	v13 =	vmovc v24  }
0xd5: {  	v23 =	vor.u32 v23, v22;
	v39 =	vshll.u32 v30, $0x6;
	v22 =	vadd.f32 v38, v14;
	v24 =	vld.idx.msk [tilespmem:v34+s14+$0x0], $0xffff  }
0xd6: {  	v30 =	vor.u32 v2, v30;
	v33 =	vor.u32 v1, v27;
	v34 =	vor.u32 v0, v39;
	v31 =	vld.idx.msk [tilespmem:v31+s14+$0x0], $0xffff  }
0xd7: {  	v42 =	vand.u32 $0x7, v43;
	v38 =	vor.u32 v3, v44;
	v30 =	vand.u32 $0x3F8, v30;
	v32 =	vld.idx.msk [tilespmem:v32+s14+$0x0], $0xffff;
	[tilespmem:v28+s24+$0x0] =	vst.idx.msk $0xffff, v22  }
0xd8: {  	v43 =	vor.u32 v3, v36;
	v42 =	vor.u32 v42, v30;
	v28 =	vor.u32 v1, v23;
	v30 =	vld.idx.msk [tilespmem:v40+s14+$0x0], $0xffff  }
0xd9: {  	v45 =	vor.u32 v3, v39;
	v22 =	vor.u32 v4, v23;
	v40 =	vor.u32 v1, v42  }
0xda: {  	v47 =	vor.u32 v7, v19;
	v48 =	vor.u32 v6, v17;
	v46 =	vadd.s32 s3, v0;
	[tilespmem:v41+s24+$0x0] =	vst.idx.msk $0xffff, v35  }
0xdb: {  	v19 =	vand.u32 $0x7F, v46;
	v17 =	vmovc v23;
	v35 =	vor.u32 v6, v25;
	v24 =	vadd.f32 v24, v10;
	v34 =	vld.idx.msk [tilespmem:v34+s14+$0x0], $0xffff  }
0xdc: {  	v23 =	vor.u32 v2, v19;
	v19 =	vshll.u32 v19, $0x6;
	v31 =	vadd.f32 v31, v11;
	v26 =	vld.idx.msk [tilespmem:v26+s14+$0x0], $0xffff  }
0xdd: {  	v49 =	vand.u32 $0x3F8, v23;
	v41 =	vor.u32 v0, v19;
	v23 =	vadd.f32 v32, v11;
	[tilespmem:v37+s24+$0x0] =	vst.idx.msk $0xffff, v24  }
0xde: {  	v24 =	vadd.f32 v30, v10;
	[tilespmem:v28+s24+$0x0] =	vst.idx.msk $0xffff, v31;
	v28 =	vadd.f32 v29, v10;
	v31 =	vld.idx.msk [tilespmem:v21+s14+$0x0], $0xffff  }
0xdf: {  	v20 =	vor.u32 v6, v20;
	v32 =	vor.u32 v7, v15;
	v15 =	vmov v36;
	[tilespmem:v33+s24+$0x0] =	vst.idx.msk $0xffff, v23  }
0xe0: {  	v18 =	vor.u32 v7, v18;
	v23 =	vor.u32 v8, v42;
	v33 =	vld.idx.msk [tilespmem:v38+s14+$0x0], $0xffff;
	[tilespmem:v35+s24+$0x0] =	vst.idx.msk $0xffff, v24  }
0xe1: {  	v34 =	vadd.f32 v34, v11;
	v47 =	vld.idx.msk [tilespmem:v47+s14+$0x0], $0xffff;
	[tilespmem:v48+s24+$0x0] =	vst.idx.msk $0xffff, v28;
	v48 =	vor.u32 v8, v16  }
0xe2: {  	v21 =	vor.u32 v7, v44;
	v24 =	vor.u32 v8, v17;
	v26 =	vadd.f32 v26, v10;
	v41 =	vld.idx.msk [tilespmem:v41+s14+$0x0], $0xffff  }
0xe3: {  	v29 =	vor.u32 v5, v15;
	v28 =	vand.u32 $0x7, v46;
	v16 =	vmovc v27;
	v36 =	vld.idx.msk [tilespmem:v43+s14+$0x0], $0xffff;
	v43 =	vor.u32 v4, v27  }
.Ltmp3:
0xe4: {  	v30 =	vor.u32 v28, v49;
	v27 =	vld.idx.msk [tilespmem:v32+s14+$0x0], $0xffff;
	v32 =	vadd.f32 v31, v9;
	[tilespmem:v20+s24+$0x0] =	vst.idx.msk $0xffff, v26;
	(pc) =	sbr.rel @p2 .LBB2_5-.Ltmp3, $4  }
0xe5: {  	v37 =	vor.u32 v1, v30;
	v28 =	vor.u32 v4, v30;
	[tilespmem:v40+s24+$0x0] =	vst.idx.msk $0xffff, v34;
	v31 =	vld.idx.msk [tilespmem:v18+s14+$0x0], $0xffff  }
0xe6: {  	v38 =	vor.u32 v3, v19;
	v40 =	vadd.f32 v33, v14;
	v35 =	vld.idx.msk [tilespmem:v45+s14+$0x0], $0xffff;
	[tilespmem:v48+s24+$0x0] =	vst.idx.msk $0xffff, v32  }
0xe7: {  	v26 =	vor.u32 v5, v39;
	v33 =	vor.u32 v8, v25;
	v18 =	vmovc v39;
	v32 =	vadd.f32 v47, v9  }
0xe8: {  	v20 =	vmov v42;
	v34 =	vor.u32 v5, v44;
	v39 =	vadd.f32 v41, v11;
	[tilespmem:v43+s24+$0x0] =	vst.idx.msk $0xffff, v40  }
0xe9: {  	_ =	sdelay $0x3  }
0xea: {  	[tilespmem:v37+s24+$0x0] =	vst.idx.msk $0xffff, v39  }
0xeb: {  	v11 =	vld.idx.msk [tilespmem:v38+s14+$0x0], $0xffff;
	_ =	sdelay $0x2  }
0xec: {  	v25 =	vor.u32 v5, v19;
	v53 =	vor.u32 v4, v20;
	_ =	sdelay $0x1  }
0xed: {  	v11 =	vadd.f32 v11, v14  }
0xee: {  	v35 =	vadd.f32 v35, v14  }
0xef: {  	v34 =	vld.idx.msk [tilespmem:v34+s14+$0x0], $0xffff;
	v14 =	vadd.f32 v36, v14;
	[tilespmem:v28+s24+$0x0] =	vst.idx.msk $0xffff, v11  }
0xf0: {  	[tilespmem:v53+s24+$0x0] =	vst.idx.msk $0xffff, v35;
	v11 =	vld.idx.msk [tilespmem:v25+s14+$0x0], $0xffff  }
0xf1: {  	[tilespmem:v22+s24+$0x0] =	vst.idx.msk $0xffff, v14;
	v14 =	vld.idx.msk [tilespmem:v26+s14+$0x0], $0xffff;
	v25 =	vor.u32 v6, v16  }
0xf2: {  	v26 =	vor.u32 v6, v30;
	v22 =	vld.idx.msk [tilespmem:v29+s14+$0x0], $0xffff  }
0xf3: {  	v19 =	vor.u32 v7, v19;
	v20 =	vor.u32 v6, v20  }
0xf4: {  	v17 =	vor.u32 v6, v17;
	v18 =	vor.u32 v7, v18;
	v28 =	vadd.f32 v34, v10  }
0xf5: {  	v15 =	vor.u32 v7, v15;
	v11 =	vadd.f32 v11, v10  }
0xf6: {  	v14 =	vadd.f32 v14, v10;
	[tilespmem:v25+s24+$0x0] =	vst.idx.msk $0xffff, v28  }
0xf7: {  	v10 =	vadd.f32 v22, v10;
	v21 =	vld.idx.msk [tilespmem:v21+s14+$0x0], $0xffff;
	[tilespmem:v26+s24+$0x0] =	vst.idx.msk $0xffff, v11  }
0xf8: {  	[tilespmem:v20+s24+$0x0] =	vst.idx.msk $0xffff, v14;
	v11 =	vld.idx.msk [tilespmem:v19+s14+$0x0], $0xffff  }
0xf9: {  	[tilespmem:v17+s24+$0x0] =	vst.idx.msk $0xffff, v10;
	v10 =	vor.u32 v8, v16;
	v14 =	vld.idx.msk [tilespmem:v18+s14+$0x0], $0xffff  }
0xfa: {  	v16 =	vadd.f32 v31, v9;
	v17 =	vor.u32 v8, v30;
	v15 =	vld.idx.msk [tilespmem:v15+s14+$0x0], $0xffff  }
0xfb: {  	[tilespmem:v33+s24+$0x0] =	vst.idx.msk $0xffff, v32;
	v18 =	vadd.f32 v27, v9  }
0xfc: {  	[tilespmem:v12+s24+$0x0] =	vst.idx.msk $0xffff, v16;
	v12 =	vadd.f32 v21, v9  }
0xfd: {  	[tilespmem:v13+s24+$0x0] =	vst.idx.msk $0xffff, v18;
	v11 =	vadd.f32 v11, v9  }
0xfe: {  	s3 =	sshll.u32 s5, $0x12;
	[tilespmem:v10+s24+$0x0] =	vst.idx.msk $0xffff, v12;
	v10 =	vadd.f32 v14, v9  }
0xff: {  	s3 =	sor.u32 s7, s3;
	v9 =	vadd.f32 v15, v9;
	[tilespmem:v17+s24+$0x0] =	vst.idx.msk $0xffff, v11  }
0x100: {  	s3 =	sshrl.u32 s3, $0x3;
	[tilespmem:v23+s24+$0x0] =	vst.idx.msk $0xffff, v10  }
0x101: {  	s5 =	simm.s32 @!p1 $0x80;
	s3 =	sadd.s32 s2, s3;
	[tilespmem:v24+s24+$0x0] =	vst.idx.msk $0xffff, v9  }
0x102: {  	[hbm4b:s3+s21] =	stream.strided.scatter [tilespmem:s24], [sflag:$0x6], $0x2000, s22, s21, $0x38;
	[tilespmem:$0x19600] =	vst v63  }
0x103: {  	s6 =	simm.s32 @!p1 $0xB600;
	s8 =	simm.s32 $0x2;
	s3 =	sadd.s32 @!p1 $0x280, s17  }
0x104: {  	v9 =	vadd.s32 s8, v0;
	[tilespmem:s6], [sflag:$0x2] =	stream.indirect.gather @!p1 [hbm4b:s4+s5], $0x40, s3, s5, $0xb8;
	[tilespmem:$0x19600] =	vst v63  }
0x105: {  	v10 =	vand.u32 $0x7F, v9;
	s6 =	simm.s32 $0x1;
	_ =	swait.ge [sflag:s25], $0x2000  }
0x106: {  	v15 =	vshll.u32 v10, $0x6;
	v12 =	vadd.s32 s6, v0;
	[sflag:s25] =	ssyncset.done $0x0  }
0x107: {  	s8 =	simm.s32 $0x3;
	s3 =	simm.s32 @!p0 $0x7;
	v14 =	vor.u32 v0, v15;
	v13 =	vand.u32 $0x7F, v12;
	[sflag:s25] =	ssyncadd.s32 $0xFFFFE000  }
0x108: {  	v17 =	vadd.s32 s8, v0;
	s5 =	sor.u32 $0x2, s15;
	v21 =	vshll.u32 v13, $0x6;
	_ =	swait.ge @!p0 [sflag:s3], $0x2000  }
0x109: {  	v18 =	vand.u32 $0x7F, v17;
	s30 =	sshll.u32 s5, $0x6;
	v16 =	vor.u32 v0, v21;
	[sflag:s3] =	ssyncset.done @!p0 $0x0  }
0x10a: {  	v9 =	vand.u32 $0x7, v9;
	v10 =	vor.u32 v2, v10;
	v24 =	vshll.u32 v18, $0x6;
	s8 =	sand.u32 $0x3FFFFFC0, s30;
	[sflag:s3] =	ssyncadd.s32 @!p0 $0xFFFFE000  }
0x10b: {  	v17 =	vand.u32 $0x7, v17;
	v10 =	vand.u32 $0x3F8, v10;
	v19 =	vor.u32 v0, v24;
	v11 =	vld [tilespmem:s8+$0x6400]  }
0x10c: {  	v25 =	vor.u32 v9, v10;
	v9 =	vor.u32 v2, v18;
	s30 =	simm.s32 $0x0;
	v13 =	vor.u32 v2, v13;
	v20 =	vld.idx.msk [tilespmem:v14+s16+$0x0], $0xffff  }
0x10d: {  	v12 =	vand.u32 $0x7, v12;
	v22 =	vadd.s32 s30, v0;
	v13 =	vand.u32 $0x3F8, v13  }
0x10e: {  	v23 =	vor.u32 v12, v13;
	v13 =	vor.u32 v1, v25;
	v12 =	vld.idx.msk [tilespmem:v16+s16+$0x0], $0xffff;
	v16 =	vand.u32 $0x7F, v22  }
0x10f: {  	v18 =	vor.u32 v3, v15;
	v31 =	vor.u32 v3, v24;
	v26 =	vshll.u32 v16, $0x6  }
0x110: {  	v36 =	vor.u32 v5, v24;
	v28 =	vor.u32 v1, v23;
	v14 =	vld [tilespmem:s8+$0x6410];
	v29 =	vor.u32 v0, v26  }
0x111: {  	v27 =	vand.u32 $0x3F8, v9;
	v54 =	vor.u32 v4, v25;
	v10 =	vld [tilespmem:s8+$0x6420];
	v20 =	vadd.f32 v20, v11  }
0x112: {  	v40 =	vor.u32 v6, v25;
	v27 =	vor.u32 v17, v27;
	s30 =	simm.s32 $0x6;
	v30 =	vor.u32 v3, v21;
	v19 =	vld.idx.msk [tilespmem:v19+s16+$0x0], $0xffff  }
0x113: {  	v58 =	vadd.s32 s30, v0;
	v59 =	vor.u32 v4, v27;
	s30 =	simm.s32 $0x4;
	v9 =	vld [tilespmem:s8+$0x6430];
	v12 =	vadd.f32 v12, v11;
	[tilespmem:v13+s26+$0x0] =	vst.idx.msk $0xffff, v20  }
0x114: {  	v38 =	vand.u32 $0x7, v58;
	v47 =	vadd.s32 s30, v0;
	v13 =	vor.u32 v2, v16;
	v16 =	vld.idx.msk [tilespmem:v18+s16+$0x0], $0xffff  }
0x115: {  	v22 =	vand.u32 $0x7, v22;
	v20 =	vor.u32 v1, v27;
	v18 =	vand.u32 $0x3F8, v13;
	[tilespmem:v28+s26+$0x0] =	vst.idx.msk $0xffff, v12;
	v28 =	vld.idx.msk [tilespmem:v29+s16+$0x0], $0xffff  }
0x116: {  	v25 =	vor.u32 v8, v25;
	v17 =	vor.u32 v4, v23;
	s8 =	simm.s32 $0x5;
	v33 =	vor.u32 v22, v18  }
0x117: {  	v48 =	vor.u32 v6, v23;
	v57 =	vadd.s32 s8, v0;
	v22 =	vor.u32 v1, v33  }
0x118: {  	v56 =	vor.u32 v3, v26;
	v19 =	vadd.f32 v19, v11;
	v13 =	vor.u32 v8, v23;
	v29 =	vld.idx.msk [tilespmem:v30+s16+$0x0], $0xffff  }
0x119: {  	s8 =	simm.s32 $0x7;
	v12 =	vor.u32 v8, v27;
	v18 =	vor.u32 v5, v21;
	v27 =	vor.u32 v6, v27  }
0x11a: {  	v44 =	vadd.s32 s8, v0;
	v30 =	vor.u32 v7, v15;
	[tilespmem:v20+s26+$0x0] =	vst.idx.msk $0xffff, v19;
	v19 =	vadd.f32 v28, v11  }
0x11b: {  	v55 =	vor.u32 v4, v33;
	v20 =	vor.u32 v5, v15;
	v16 =	vadd.f32 v16, v14;
	v31 =	vld.idx.msk [tilespmem:v31+s16+$0x0], $0xffff  }
0x11c: {  	v28 =	vor.u32 v5, v26;
	v26 =	vor.u32 v7, v26;
	[tilespmem:v22+s26+$0x0] =	vst.idx.msk $0xffff, v19;
	v19 =	vand.u32 $0x7F, v57  }
0x11d: {  	v29 =	vadd.f32 v29, v14;
	v22 =	vand.u32 $0x7F, v58;
	v15 =	vshll.u32 v19, $0x6  }
0x11e: {  	v35 =	vld.idx.msk [tilespmem:v56+s16+$0x0], $0xffff;
	v41 =	vshll.u32 v22, $0x6;
	v19 =	vor.u32 v2, v19;
	v22 =	vor.u32 v2, v22  }
0x11f: {  	[tilespmem:v17+s26+$0x0] =	vst.idx.msk $0xffff, v29;
	v17 =	vand.u32 $0x7, v57;
	v42 =	vor.u32 v0, v15;
	v43 =	vor.u32 v0, v41  }
0x120: {  	[tilespmem:v54+s26+$0x0] =	vst.idx.msk $0xffff, v16;
	v19 =	vand.u32 $0x3F8, v19;
	v16 =	vand.u32 $0x3F8, v22;
	v31 =	vadd.f32 v31, v14  }
0x121: {  	v32 =	vld.idx.msk [tilespmem:v20+s16+$0x0], $0xffff;
	v22 =	vand.u32 $0x7F, v44;
	v63 =	vor.u32 v3, v41;
	v54 =	vor.u32 v3, v15  }
0x122: {  	v29 =	vld.idx.msk [tilespmem:v18+s16+$0x0], $0xffff;
	v16 =	vor.u32 v38, v16;
	v17 =	vor.u32 v17, v19;
	v18 =	vshll.u32 v22, $0x6  }
0x123: {  	v20 =	vor.u32 v2, v22;
	v22 =	vand.u32 $0x7, v44;
	v60 =	vor.u32 v1, v16  }
0x124: {  	v61 =	vor.u32 v0, v18;
	v20 =	vand.u32 $0x3F8, v20;
	v19 =	vadd.f32 v35, v14  }
0x125: {  	v53 =	vor.u32 v1, v17;
	v46 =	vor.u32 v3, v18;
	[tilespmem:v59+s26+$0x0] =	vst.idx.msk $0xffff, v31;
	v52 =	vld.idx.msk [tilespmem:v43+s16+$0x0], $0xffff  }
0x126: {  	v31 =	vor.u32 v6, v33;
	v59 =	vor.u32 v7, v21;
	v62 =	vld.idx.msk [tilespmem:v42+s16+$0x0], $0xffff;
	[tilespmem:v55+s26+$0x0] =	vst.idx.msk $0xffff, v19  }
0x127: {  	v21 =	vor.u32 v7, v41;
	v23 =	vadd.f32 v32, v10;
	v19 =	vand.u32 $0x7F, v47;
	v28 =	vld.idx.msk [tilespmem:v28+s16+$0x0], $0xffff  }
0x128: {  	v33 =	vor.u32 v8, v33;
	v56 =	vor.u32 v2, v19;
	v19 =	vshll.u32 v19, $0x6  }
0x129: {  	v29 =	vadd.f32 v29, v10;
	[tilespmem:v40+s26+$0x0] =	vst.idx.msk $0xffff, v23;
	v55 =	vld.idx.msk [tilespmem:v61+s16+$0x0], $0xffff;
	v57 =	vor.u32 v0, v19  }
0x12a: {  	v20 =	vor.u32 v22, v20;
	v22 =	vor.u32 v4, v17;
	v58 =	vld.idx.msk [tilespmem:v30+s16+$0x0], $0xffff;
	v34 =	vadd.f32 v52, v11  }
0x12b: {  	v36 =	vld.idx.msk [tilespmem:v36+s16+$0x0], $0xffff;
	v45 =	vor.u32 v1, v20;
	[tilespmem:v48+s26+$0x0] =	vst.idx.msk $0xffff, v29;
	v38 =	vadd.f32 v62, v11  }
0x12c: {  	v23 =	vor.u32 v8, v20;
	v28 =	vadd.f32 v28, v10;
	[tilespmem:v60+s26+$0x0] =	vst.idx.msk $0xffff, v34  }
0x12d: {  	v29 =	vor.u32 v5, v15;
	v61 =	vor.u32 v4, v16;
	[tilespmem:v53+s26+$0x0] =	vst.idx.msk $0xffff, v38;
	v35 =	vld.idx.msk [tilespmem:v63+s16+$0x0], $0xffff  }
0x12e: {  	v30 =	vand.u32 $0x3F8, v56;
	v39 =	vld.idx.msk [tilespmem:v57+s16+$0x0], $0xffff;
	[tilespmem:v31+s26+$0x0] =	vst.idx.msk $0xffff, v28;
	v31 =	vor.u32 v7, v24  }
0x12f: {  	v32 =	vadd.f32 v55, v11;
	v62 =	vadd.f32 v58, v9;
	v28 =	vand.u32 $0x7, v47;
	v60 =	vld.idx.msk [tilespmem:v26+s16+$0x0], $0xffff  }
0x130: {  	v38 =	vor.u32 v3, v19;
	v26 =	vadd.f32 v36, v10;
	v30 =	vor.u32 v28, v30;
	v36 =	vld.idx.msk [tilespmem:v54+s16+$0x0], $0xffff  }
0x131: {  	v34 =	vor.u32 v5, v41;
	[tilespmem:v45+s26+$0x0] =	vst.idx.msk $0xffff, v32;
	v37 =	vor.u32 v1, v30  }
0x132: {  	v24 =	vor.u32 v8, v17;
	[tilespmem:v27+s26+$0x0] =	vst.idx.msk $0xffff, v26;
	v27 =	vld.idx.msk [tilespmem:v59+s16+$0x0], $0xffff;
	v63 =	vadd.f32 v35, v14  }
0x133: {  	[tilespmem:v25+s26+$0x0] =	vst.idx.msk $0xffff, v62;
	v28 =	vor.u32 v4, v30;
	v26 =	vor.u32 v5, v18;
	v31 =	vld.idx.msk [tilespmem:v31+s16+$0x0], $0xffff  }
0x134: {  	s6 =	simm.s32 $0x8;
	v35 =	vld.idx.msk [tilespmem:v46+s16+$0x0], $0xffff;
	v39 =	vadd.f32 v39, v11;
	v32 =	vadd.f32 v60, v9;
	[tilespmem:v61+s26+$0x0] =	vst.idx.msk $0xffff, v63  }
.LBB2_7:
0x135: {  	s3 =	sadd.s32 $0x1, s6;
	s8 =	sadd.s32 $0x2, s6;
	s30 =	sadd.s32 $0x3, s6;
	v40 =	vor.u32 v5, v19;
	v36 =	vadd.f32 v36, v14;
	v41 =	vor.u32 v4, v20;
	v25 =	vmovc v30  }
0x136: {  	p2 =	slt.u32 s6, $0x7C;
	v30 =	vadd.s32 s3, v0;
	v42 =	vadd.s32 s8, v0;
	[tilespmem:v37+s26+$0x0] =	vst.idx.msk $0xffff, v39;
	v37 =	vor.u32 v6, v16;
	s3 =	smov.u32 s6;
	s6 =	sadd.s32 $0x4, s6  }
0x137: {  	v39 =	vand.u32 $0x7F, v30;
	v43 =	vand.u32 $0x7F, v42;
	v42 =	vand.u32 $0x7, v42;
	v38 =	vld.idx.msk [tilespmem:v38+s16+$0x0], $0xffff;
	[tilespmem:v22+s26+$0x0] =	vst.idx.msk $0xffff, v36  }
0x138: {  	v22 =	vadd.f32 v31, v9;
	v36 =	vshll.u32 v39, $0x6;
	v44 =	vshll.u32 v43, $0x6;
	v29 =	vld.idx.msk [tilespmem:v29+s16+$0x0], $0xffff;
	[tilespmem:v33+s26+$0x0] =	vst.idx.msk $0xffff, v32  }
0x139: {  	v27 =	vadd.f32 v27, v9;
	v31 =	vor.u32 v0, v36;
	v32 =	vor.u32 v0, v44  }
0x13a: {  	v33 =	vor.u32 v2, v39;
	v39 =	vor.u32 v2, v43;
	v43 =	vadd.s32 s30, v0;
	[tilespmem:v12+s26+$0x0] =	vst.idx.msk $0xffff, v22  }
0x13b: {  	v35 =	vadd.f32 v35, v14;
	v22 =	vand.u32 $0x3F8, v33;
	v33 =	vand.u32 $0x3F8, v39;
	v12 =	vmovc v23;
	[tilespmem:v13+s26+$0x0] =	vst.idx.msk $0xffff, v27  }
0x13c: {  	v23 =	vand.u32 $0x7, v30;
	v30 =	vand.u32 $0x7F, v43;
	v27 =	vor.u32 v42, v33;
	v13 =	vmovc v24  }
0x13d: {  	v23 =	vor.u32 v23, v22;
	v39 =	vshll.u32 v30, $0x6;
	v22 =	vadd.f32 v38, v14;
	v24 =	vld.idx.msk [tilespmem:v34+s16+$0x0], $0xffff  }
0x13e: {  	v30 =	vor.u32 v2, v30;
	v33 =	vor.u32 v1, v27;
	v34 =	vor.u32 v0, v39;
	v31 =	vld.idx.msk [tilespmem:v31+s16+$0x0], $0xffff  }
0x13f: {  	v42 =	vand.u32 $0x7, v43;
	v38 =	vor.u32 v3, v44;
	v30 =	vand.u32 $0x3F8, v30;
	v32 =	vld.idx.msk [tilespmem:v32+s16+$0x0], $0xffff;
	[tilespmem:v28+s26+$0x0] =	vst.idx.msk $0xffff, v22  }
0x140: {  	v43 =	vor.u32 v3, v36;
	v42 =	vor.u32 v42, v30;
	v28 =	vor.u32 v1, v23;
	v30 =	vld.idx.msk [tilespmem:v40+s16+$0x0], $0xffff  }
0x141: {  	v45 =	vor.u32 v3, v39;
	v22 =	vor.u32 v4, v23;
	v40 =	vor.u32 v1, v42  }
0x142: {  	v47 =	vor.u32 v7, v19;
	v48 =	vor.u32 v6, v17;
	v46 =	vadd.s32 s3, v0;
	[tilespmem:v41+s26+$0x0] =	vst.idx.msk $0xffff, v35  }
0x143: {  	v19 =	vand.u32 $0x7F, v46;
	v17 =	vmovc v23;
	v35 =	vor.u32 v6, v25;
	v24 =	vadd.f32 v24, v10;
	v34 =	vld.idx.msk [tilespmem:v34+s16+$0x0], $0xffff  }
0x144: {  	v23 =	vor.u32 v2, v19;
	v19 =	vshll.u32 v19, $0x6;
	v31 =	vadd.f32 v31, v11;
	v26 =	vld.idx.msk [tilespmem:v26+s16+$0x0], $0xffff  }
0x145: {  	v49 =	vand.u32 $0x3F8, v23;
	v41 =	vor.u32 v0, v19;
	v23 =	vadd.f32 v32, v11;
	[tilespmem:v37+s26+$0x0] =	vst.idx.msk $0xffff, v24  }
0x146: {  	v24 =	vadd.f32 v30, v10;
	[tilespmem:v28+s26+$0x0] =	vst.idx.msk $0xffff, v31;
	v28 =	vadd.f32 v29, v10;
	v31 =	vld.idx.msk [tilespmem:v21+s16+$0x0], $0xffff  }
0x147: {  	v20 =	vor.u32 v6, v20;
	v32 =	vor.u32 v7, v15;
	v15 =	vmov v36;
	[tilespmem:v33+s26+$0x0] =	vst.idx.msk $0xffff, v23  }
0x148: {  	v18 =	vor.u32 v7, v18;
	v23 =	vor.u32 v8, v42;
	v33 =	vld.idx.msk [tilespmem:v38+s16+$0x0], $0xffff;
	[tilespmem:v35+s26+$0x0] =	vst.idx.msk $0xffff, v24  }
0x149: {  	v34 =	vadd.f32 v34, v11;
	v47 =	vld.idx.msk [tilespmem:v47+s16+$0x0], $0xffff;
	[tilespmem:v48+s26+$0x0] =	vst.idx.msk $0xffff, v28;
	v48 =	vor.u32 v8, v16  }
0x14a: {  	v21 =	vor.u32 v7, v44;
	v24 =	vor.u32 v8, v17;
	v26 =	vadd.f32 v26, v10;
	v41 =	vld.idx.msk [tilespmem:v41+s16+$0x0], $0xffff  }
0x14b: {  	v29 =	vor.u32 v5, v15;
	v28 =	vand.u32 $0x7, v46;
	v16 =	vmovc v27;
	v36 =	vld.idx.msk [tilespmem:v43+s16+$0x0], $0xffff;
	v43 =	vor.u32 v4, v27  }
.Ltmp4:
0x14c: {  	v30 =	vor.u32 v28, v49;
	v27 =	vld.idx.msk [tilespmem:v32+s16+$0x0], $0xffff;
	v32 =	vadd.f32 v31, v9;
	[tilespmem:v20+s26+$0x0] =	vst.idx.msk $0xffff, v26;
	(pc) =	sbr.rel @p2 .LBB2_7-.Ltmp4, $4  }
0x14d: {  	v37 =	vor.u32 v1, v30;
	v28 =	vor.u32 v4, v30;
	[tilespmem:v40+s26+$0x0] =	vst.idx.msk $0xffff, v34;
	v31 =	vld.idx.msk [tilespmem:v18+s16+$0x0], $0xffff  }
0x14e: {  	v38 =	vor.u32 v3, v19;
	v40 =	vadd.f32 v33, v14;
	v35 =	vld.idx.msk [tilespmem:v45+s16+$0x0], $0xffff;
	[tilespmem:v48+s26+$0x0] =	vst.idx.msk $0xffff, v32  }
0x14f: {  	v26 =	vor.u32 v5, v39;
	v33 =	vor.u32 v8, v25;
	v18 =	vmovc v39;
	v32 =	vadd.f32 v47, v9  }
0x150: {  	v20 =	vmov v42;
	v34 =	vor.u32 v5, v44;
	v39 =	vadd.f32 v41, v11;
	[tilespmem:v43+s26+$0x0] =	vst.idx.msk $0xffff, v40  }
0x151: {  	_ =	sdelay $0x3  }
0x152: {  	[tilespmem:v37+s26+$0x0] =	vst.idx.msk $0xffff, v39  }
0x153: {  	v11 =	vld.idx.msk [tilespmem:v38+s16+$0x0], $0xffff;
	_ =	sdelay $0x2  }
0x154: {  	v25 =	vor.u32 v5, v19;
	v53 =	vor.u32 v4, v20;
	_ =	sdelay $0x1  }
0x155: {  	v11 =	vadd.f32 v11, v14  }
0x156: {  	v35 =	vadd.f32 v35, v14  }
0x157: {  	v34 =	vld.idx.msk [tilespmem:v34+s16+$0x0], $0xffff;
	v14 =	vadd.f32 v36, v14;
	[tilespmem:v28+s26+$0x0] =	vst.idx.msk $0xffff, v11  }
0x158: {  	[tilespmem:v53+s26+$0x0] =	vst.idx.msk $0xffff, v35;
	v11 =	vld.idx.msk [tilespmem:v25+s16+$0x0], $0xffff  }
0x159: {  	[tilespmem:v22+s26+$0x0] =	vst.idx.msk $0xffff, v14;
	v14 =	vld.idx.msk [tilespmem:v26+s16+$0x0], $0xffff;
	v25 =	vor.u32 v6, v16  }
0x15a: {  	v26 =	vor.u32 v6, v30;
	v22 =	vld.idx.msk [tilespmem:v29+s16+$0x0], $0xffff  }
0x15b: {  	v19 =	vor.u32 v7, v19;
	v20 =	vor.u32 v6, v20  }
0x15c: {  	v17 =	vor.u32 v6, v17;
	v18 =	vor.u32 v7, v18;
	v28 =	vadd.f32 v34, v10  }
0x15d: {  	v15 =	vor.u32 v7, v15;
	v11 =	vadd.f32 v11, v10  }
0x15e: {  	v14 =	vadd.f32 v14, v10;
	[tilespmem:v25+s26+$0x0] =	vst.idx.msk $0xffff, v28  }
0x15f: {  	v10 =	vadd.f32 v22, v10;
	v21 =	vld.idx.msk [tilespmem:v21+s16+$0x0], $0xffff;
	[tilespmem:v26+s26+$0x0] =	vst.idx.msk $0xffff, v11  }
0x160: {  	[tilespmem:v20+s26+$0x0] =	vst.idx.msk $0xffff, v14;
	v11 =	vld.idx.msk [tilespmem:v19+s16+$0x0], $0xffff  }
0x161: {  	[tilespmem:v17+s26+$0x0] =	vst.idx.msk $0xffff, v10;
	v10 =	vor.u32 v8, v16;
	v14 =	vld.idx.msk [tilespmem:v18+s16+$0x0], $0xffff  }
0x162: {  	v16 =	vadd.f32 v31, v9;
	v17 =	vor.u32 v8, v30;
	v15 =	vld.idx.msk [tilespmem:v15+s16+$0x0], $0xffff  }
0x163: {  	[tilespmem:v33+s26+$0x0] =	vst.idx.msk $0xffff, v32;
	v18 =	vadd.f32 v27, v9  }
0x164: {  	[tilespmem:v12+s26+$0x0] =	vst.idx.msk $0xffff, v16;
	v12 =	vadd.f32 v21, v9  }
0x165: {  	[tilespmem:v13+s26+$0x0] =	vst.idx.msk $0xffff, v18;
	v11 =	vadd.f32 v11, v9  }
0x166: {  	s3 =	sshll.u32 s5, $0x12;
	[tilespmem:v10+s26+$0x0] =	vst.idx.msk $0xffff, v12;
	v10 =	vadd.f32 v14, v9  }
0x167: {  	s3 =	sor.u32 s7, s3;
	v9 =	vadd.f32 v15, v9;
	[tilespmem:v17+s26+$0x0] =	vst.idx.msk $0xffff, v11  }
0x168: {  	s3 =	sshrl.u32 s3, $0x3;
	[tilespmem:v23+s26+$0x0] =	vst.idx.msk $0xffff, v10  }
0x169: {  	s5 =	simm.s32 @!p1 $0x80;
	s3 =	sadd.s32 s2, s3;
	[tilespmem:v24+s26+$0x0] =	vst.idx.msk $0xffff, v9  }
0x16a: {  	[hbm4b:s3+s21] =	stream.strided.scatter [tilespmem:s26], [sflag:$0x7], $0x2000, s22, s21, $0x38;
	[tilespmem:$0x19600] =	vst v63  }
0x16b: {  	s6 =	simm.s32 @!p1 $0xD600;
	s8 =	simm.s32 $0x2;
	s3 =	sadd.s32 @!p1 $0x300, s17  }
0x16c: {  	v9 =	vadd.s32 s8, v0;
	[tilespmem:s6], [sflag:$0x3] =	stream.indirect.gather @!p1 [hbm4b:s4+s5], $0x40, s3, s5, $0xb8;
	[tilespmem:$0x19600] =	vst v63  }
0x16d: {  	v10 =	vand.u32 $0x7F, v9;
	s6 =	simm.s32 $0x1;
	_ =	swait.ge [sflag:s28], $0x2000  }
0x16e: {  	v15 =	vshll.u32 v10, $0x6;
	v12 =	vadd.s32 s6, v0;
	[sflag:s28] =	ssyncset.done $0x0  }
0x16f: {  	s30 =	simm.s32 $0x0;
	s3 =	simm.s32 @!p0 $0x8;
	v14 =	vor.u32 v0, v15;
	v13 =	vand.u32 $0x7F, v12;
	[sflag:s28] =	ssyncadd.s32 $0xFFFFE000  }
0x170: {  	s8 =	simm.s32 $0x3;
	s5 =	sor.u32 $0x3, s15;
	v21 =	vshll.u32 v13, $0x6;
	_ =	swait.ge @!p0 [sflag:s3], $0x2000  }
0x171: {  	v22 =	vadd.s32 s30, v0;
	s30 =	simm.s32 $0x4;
	v17 =	vadd.s32 s8, v0;
	s15 =	sshll.u32 s5, $0x6;
	v16 =	vor.u32 v0, v21;
	[sflag:s3] =	ssyncset.done @!p0 $0x0  }
0x172: {  	v47 =	vadd.s32 s30, v0;
	v9 =	vand.u32 $0x7, v9;
	v18 =	vand.u32 $0x7F, v17;
	s17 =	sand.u32 $0x3FFFFFC0, s15;
	[sflag:s3] =	ssyncadd.s32 @!p0 $0xFFFFE000  }
0x173: {  	v10 =	vor.u32 v2, v10;
	v17 =	vand.u32 $0x7, v17;
	v24 =	vshll.u32 v18, $0x6;
	v11 =	vld [tilespmem:s17+$0x6400]  }
0x174: {  	v10 =	vand.u32 $0x3F8, v10;
	v19 =	vor.u32 v0, v24;
	v13 =	vor.u32 v2, v13;
	v20 =	vld.idx.msk [tilespmem:v14+s18+$0x0], $0xffff  }
0x175: {  	v25 =	vor.u32 v9, v10;
	v12 =	vand.u32 $0x7, v12;
	v13 =	vand.u32 $0x3F8, v13  }
0x176: {  	v23 =	vor.u32 v12, v13;
	v13 =	vor.u32 v1, v25;
	v12 =	vld.idx.msk [tilespmem:v16+s18+$0x0], $0xffff;
	v16 =	vand.u32 $0x7F, v22  }
0x177: {  	v9 =	vor.u32 v2, v18;
	v18 =	vor.u32 v3, v15;
	v26 =	vshll.u32 v16, $0x6  }
0x178: {  	v31 =	vor.u32 v3, v24;
	v28 =	vor.u32 v1, v23;
	v14 =	vld [tilespmem:s17+$0x6410];
	v29 =	vor.u32 v0, v26  }
0x179: {  	v36 =	vor.u32 v5, v24;
	v27 =	vand.u32 $0x3F8, v9;
	v10 =	vld [tilespmem:s17+$0x6420];
	v20 =	vadd.f32 v20, v11  }
0x17a: {  	s8 =	simm.s32 $0x5;
	v54 =	vor.u32 v4, v25;
	v40 =	vor.u32 v6, v25;
	v27 =	vor.u32 v17, v27;
	v19 =	vld.idx.msk [tilespmem:v19+s18+$0x0], $0xffff  }
0x17b: {  	v57 =	vadd.s32 s8, v0;
	s15 =	simm.s32 $0x6;
	v30 =	vor.u32 v3, v21;
	v9 =	vld [tilespmem:s17+$0x6430];
	v12 =	vadd.f32 v12, v11;
	[tilespmem:v13+s29+$0x0] =	vst.idx.msk $0xffff, v20  }
0x17c: {  	v58 =	vadd.s32 s15, v0;
	v59 =	vor.u32 v4, v27;
	v13 =	vor.u32 v2, v16;
	v16 =	vld.idx.msk [tilespmem:v18+s18+$0x0], $0xffff  }
0x17d: {  	v22 =	vand.u32 $0x7, v22;
	v20 =	vor.u32 v1, v27;
	v18 =	vand.u32 $0x3F8, v13;
	[tilespmem:v28+s29+$0x0] =	vst.idx.msk $0xffff, v12;
	v28 =	vld.idx.msk [tilespmem:v29+s18+$0x0], $0xffff  }
0x17e: {  	v38 =	vand.u32 $0x7, v58;
	v25 =	vor.u32 v8, v25;
	v33 =	vor.u32 v22, v18  }
0x17f: {  	v17 =	vor.u32 v4, v23;
	v48 =	vor.u32 v6, v23;
	v22 =	vor.u32 v1, v33  }
0x180: {  	v56 =	vor.u32 v3, v26;
	v19 =	vadd.f32 v19, v11;
	v13 =	vor.u32 v8, v23;
	v29 =	vld.idx.msk [tilespmem:v30+s18+$0x0], $0xffff  }
0x181: {  	s17 =	simm.s32 $0x7;
	v12 =	vor.u32 v8, v27;
	v18 =	vor.u32 v5, v21;
	v27 =	vor.u32 v6, v27  }
0x182: {  	v44 =	vadd.s32 s17, v0;
	v30 =	vor.u32 v7, v15;
	[tilespmem:v20+s29+$0x0] =	vst.idx.msk $0xffff, v19;
	v19 =	vadd.f32 v28, v11  }
0x183: {  	v55 =	vor.u32 v4, v33;
	v20 =	vor.u32 v5, v15;
	v16 =	vadd.f32 v16, v14;
	v31 =	vld.idx.msk [tilespmem:v31+s18+$0x0], $0xffff  }
0x184: {  	v28 =	vor.u32 v5, v26;
	v26 =	vor.u32 v7, v26;
	[tilespmem:v22+s29+$0x0] =	vst.idx.msk $0xffff, v19;
	v19 =	vand.u32 $0x7F, v57  }
0x185: {  	v29 =	vadd.f32 v29, v14;
	v22 =	vand.u32 $0x7F, v58;
	v15 =	vshll.u32 v19, $0x6  }
0x186: {  	v35 =	vld.idx.msk [tilespmem:v56+s18+$0x0], $0xffff;
	v41 =	vshll.u32 v22, $0x6;
	v19 =	vor.u32 v2, v19;
	v22 =	vor.u32 v2, v22  }
0x187: {  	[tilespmem:v17+s29+$0x0] =	vst.idx.msk $0xffff, v29;
	v17 =	vand.u32 $0x7, v57;
	v42 =	vor.u32 v0, v15;
	v43 =	vor.u32 v0, v41  }
0x188: {  	[tilespmem:v54+s29+$0x0] =	vst.idx.msk $0xffff, v16;
	v19 =	vand.u32 $0x3F8, v19;
	v16 =	vand.u32 $0x3F8, v22;
	v31 =	vadd.f32 v31, v14  }
0x189: {  	v32 =	vld.idx.msk [tilespmem:v20+s18+$0x0], $0xffff;
	v22 =	vand.u32 $0x7F, v44;
	v63 =	vor.u32 v3, v41;
	v54 =	vor.u32 v3, v15  }
0x18a: {  	v29 =	vld.idx.msk [tilespmem:v18+s18+$0x0], $0xffff;
	v16 =	vor.u32 v38, v16;
	v17 =	vor.u32 v17, v19;
	v18 =	vshll.u32 v22, $0x6  }
0x18b: {  	v20 =	vor.u32 v2, v22;
	v22 =	vand.u32 $0x7, v44;
	v60 =	vor.u32 v1, v16  }
0x18c: {  	v61 =	vor.u32 v0, v18;
	v20 =	vand.u32 $0x3F8, v20;
	v19 =	vadd.f32 v35, v14  }
0x18d: {  	v53 =	vor.u32 v1, v17;
	v46 =	vor.u32 v3, v18;
	[tilespmem:v59+s29+$0x0] =	vst.idx.msk $0xffff, v31;
	v52 =	vld.idx.msk [tilespmem:v43+s18+$0x0], $0xffff  }
0x18e: {  	v31 =	vor.u32 v6, v33;
	v59 =	vor.u32 v7, v21;
	v62 =	vld.idx.msk [tilespmem:v42+s18+$0x0], $0xffff;
	[tilespmem:v55+s29+$0x0] =	vst.idx.msk $0xffff, v19  }
0x18f: {  	v21 =	vor.u32 v7, v41;
	v23 =	vadd.f32 v32, v10;
	v19 =	vand.u32 $0x7F, v47;
	v28 =	vld.idx.msk [tilespmem:v28+s18+$0x0], $0xffff  }
0x190: {  	v33 =	vor.u32 v8, v33;
	v56 =	vor.u32 v2, v19;
	v19 =	vshll.u32 v19, $0x6  }
0x191: {  	v29 =	vadd.f32 v29, v10;
	[tilespmem:v40+s29+$0x0] =	vst.idx.msk $0xffff, v23;
	v55 =	vld.idx.msk [tilespmem:v61+s18+$0x0], $0xffff;
	v57 =	vor.u32 v0, v19  }
0x192: {  	v20 =	vor.u32 v22, v20;
	v22 =	vor.u32 v4, v17;
	v58 =	vld.idx.msk [tilespmem:v30+s18+$0x0], $0xffff;
	v34 =	vadd.f32 v52, v11  }
0x193: {  	v36 =	vld.idx.msk [tilespmem:v36+s18+$0x0], $0xffff;
	v45 =	vor.u32 v1, v20;
	[tilespmem:v48+s29+$0x0] =	vst.idx.msk $0xffff, v29;
	v38 =	vadd.f32 v62, v11  }
0x194: {  	v23 =	vor.u32 v8, v20;
	v28 =	vadd.f32 v28, v10;
	[tilespmem:v60+s29+$0x0] =	vst.idx.msk $0xffff, v34  }
0x195: {  	v29 =	vor.u32 v5, v15;
	v61 =	vor.u32 v4, v16;
	[tilespmem:v53+s29+$0x0] =	vst.idx.msk $0xffff, v38;
	v35 =	vld.idx.msk [tilespmem:v63+s18+$0x0], $0xffff  }
0x196: {  	v30 =	vand.u32 $0x3F8, v56;
	v39 =	vld.idx.msk [tilespmem:v57+s18+$0x0], $0xffff;
	[tilespmem:v31+s29+$0x0] =	vst.idx.msk $0xffff, v28;
	v31 =	vor.u32 v7, v24  }
0x197: {  	v32 =	vadd.f32 v55, v11;
	v62 =	vadd.f32 v58, v9;
	v28 =	vand.u32 $0x7, v47;
	v60 =	vld.idx.msk [tilespmem:v26+s18+$0x0], $0xffff  }
0x198: {  	v38 =	vor.u32 v3, v19;
	v26 =	vadd.f32 v36, v10;
	v30 =	vor.u32 v28, v30;
	v36 =	vld.idx.msk [tilespmem:v54+s18+$0x0], $0xffff  }
0x199: {  	v34 =	vor.u32 v5, v41;
	[tilespmem:v45+s29+$0x0] =	vst.idx.msk $0xffff, v32;
	v37 =	vor.u32 v1, v30  }
0x19a: {  	v24 =	vor.u32 v8, v17;
	[tilespmem:v27+s29+$0x0] =	vst.idx.msk $0xffff, v26;
	v27 =	vld.idx.msk [tilespmem:v59+s18+$0x0], $0xffff;
	v63 =	vadd.f32 v35, v14  }
0x19b: {  	[tilespmem:v25+s29+$0x0] =	vst.idx.msk $0xffff, v62;
	v28 =	vor.u32 v4, v30;
	v26 =	vor.u32 v5, v18;
	v31 =	vld.idx.msk [tilespmem:v31+s18+$0x0], $0xffff  }
0x19c: {  	s6 =	simm.s32 $0x8;
	v35 =	vld.idx.msk [tilespmem:v46+s18+$0x0], $0xffff;
	v39 =	vadd.f32 v39, v11;
	v32 =	vadd.f32 v60, v9;
	[tilespmem:v61+s29+$0x0] =	vst.idx.msk $0xffff, v63  }
.LBB2_9:
0x19d: {  	s3 =	sadd.s32 $0x1, s6;
	s8 =	sadd.s32 $0x2, s6;
	s15 =	sadd.s32 $0x3, s6;
	v40 =	vor.u32 v5, v19;
	v36 =	vadd.f32 v36, v14;
	v41 =	vor.u32 v4, v20;
	v25 =	vmovc v30  }
0x19e: {  	p0 =	slt.u32 s6, $0x7C;
	v30 =	vadd.s32 s3, v0;
	v42 =	vadd.s32 s8, v0;
	[tilespmem:v37+s29+$0x0] =	vst.idx.msk $0xffff, v39;
	v37 =	vor.u32 v6, v16;
	s3 =	smov.u32 s6;
	s6 =	sadd.s32 $0x4, s6  }
0x19f: {  	v39 =	vand.u32 $0x7F, v30;
	v43 =	vand.u32 $0x7F, v42;
	v42 =	vand.u32 $0x7, v42;
	v38 =	vld.idx.msk [tilespmem:v38+s18+$0x0], $0xffff;
	[tilespmem:v22+s29+$0x0] =	vst.idx.msk $0xffff, v36  }
0x1a0: {  	v22 =	vadd.f32 v31, v9;
	v36 =	vshll.u32 v39, $0x6;
	v44 =	vshll.u32 v43, $0x6;
	v29 =	vld.idx.msk [tilespmem:v29+s18+$0x0], $0xffff;
	[tilespmem:v33+s29+$0x0] =	vst.idx.msk $0xffff, v32  }
0x1a1: {  	v27 =	vadd.f32 v27, v9;
	v31 =	vor.u32 v0, v36;
	v32 =	vor.u32 v0, v44  }
0x1a2: {  	v33 =	vor.u32 v2, v39;
	v39 =	vor.u32 v2, v43;
	v43 =	vadd.s32 s15, v0;
	[tilespmem:v12+s29+$0x0] =	vst.idx.msk $0xffff, v22  }
0x1a3: {  	v35 =	vadd.f32 v35, v14;
	v22 =	vand.u32 $0x3F8, v33;
	v33 =	vand.u32 $0x3F8, v39;
	v12 =	vmovc v23;
	[tilespmem:v13+s29+$0x0] =	vst.idx.msk $0xffff, v27  }
0x1a4: {  	v23 =	vand.u32 $0x7, v30;
	v30 =	vand.u32 $0x7F, v43;
	v27 =	vor.u32 v42, v33;
	v13 =	vmovc v24  }
0x1a5: {  	v23 =	vor.u32 v23, v22;
	v39 =	vshll.u32 v30, $0x6;
	v22 =	vadd.f32 v38, v14;
	v24 =	vld.idx.msk [tilespmem:v34+s18+$0x0], $0xffff  }
0x1a6: {  	v30 =	vor.u32 v2, v30;
	v33 =	vor.u32 v1, v27;
	v34 =	vor.u32 v0, v39;
	v31 =	vld.idx.msk [tilespmem:v31+s18+$0x0], $0xffff  }
0x1a7: {  	v42 =	vand.u32 $0x7, v43;
	v38 =	vor.u32 v3, v44;
	v30 =	vand.u32 $0x3F8, v30;
	v32 =	vld.idx.msk [tilespmem:v32+s18+$0x0], $0xffff;
	[tilespmem:v28+s29+$0x0] =	vst.idx.msk $0xffff, v22  }
0x1a8: {  	v43 =	vor.u32 v3, v36;
	v42 =	vor.u32 v42, v30;
	v28 =	vor.u32 v1, v23;
	v30 =	vld.idx.msk [tilespmem:v40+s18+$0x0], $0xffff  }
0x1a9: {  	v45 =	vor.u32 v3, v39;
	v22 =	vor.u32 v4, v23;
	v40 =	vor.u32 v1, v42  }
0x1aa: {  	v47 =	vor.u32 v7, v19;
	v48 =	vor.u32 v6, v17;
	v46 =	vadd.s32 s3, v0;
	[tilespmem:v41+s29+$0x0] =	vst.idx.msk $0xffff, v35  }
0x1ab: {  	v19 =	vand.u32 $0x7F, v46;
	v17 =	vmovc v23;
	v35 =	vor.u32 v6, v25;
	v24 =	vadd.f32 v24, v10;
	v34 =	vld.idx.msk [tilespmem:v34+s18+$0x0], $0xffff  }
0x1ac: {  	v23 =	vor.u32 v2, v19;
	v19 =	vshll.u32 v19, $0x6;
	v31 =	vadd.f32 v31, v11;
	v26 =	vld.idx.msk [tilespmem:v26+s18+$0x0], $0xffff  }
0x1ad: {  	v49 =	vand.u32 $0x3F8, v23;
	v41 =	vor.u32 v0, v19;
	v23 =	vadd.f32 v32, v11;
	[tilespmem:v37+s29+$0x0] =	vst.idx.msk $0xffff, v24  }
0x1ae: {  	v24 =	vadd.f32 v30, v10;
	[tilespmem:v28+s29+$0x0] =	vst.idx.msk $0xffff, v31;
	v28 =	vadd.f32 v29, v10;
	v31 =	vld.idx.msk [tilespmem:v21+s18+$0x0], $0xffff  }
0x1af: {  	v20 =	vor.u32 v6, v20;
	v32 =	vor.u32 v7, v15;
	v15 =	vmov v36;
	[tilespmem:v33+s29+$0x0] =	vst.idx.msk $0xffff, v23  }
0x1b0: {  	v18 =	vor.u32 v7, v18;
	v23 =	vor.u32 v8, v42;
	v33 =	vld.idx.msk [tilespmem:v38+s18+$0x0], $0xffff;
	[tilespmem:v35+s29+$0x0] =	vst.idx.msk $0xffff, v24  }
0x1b1: {  	v34 =	vadd.f32 v34, v11;
	v47 =	vld.idx.msk [tilespmem:v47+s18+$0x0], $0xffff;
	[tilespmem:v48+s29+$0x0] =	vst.idx.msk $0xffff, v28;
	v48 =	vor.u32 v8, v16  }
0x1b2: {  	v21 =	vor.u32 v7, v44;
	v24 =	vor.u32 v8, v17;
	v26 =	vadd.f32 v26, v10;
	v41 =	vld.idx.msk [tilespmem:v41+s18+$0x0], $0xffff  }
0x1b3: {  	v29 =	vor.u32 v5, v15;
	v28 =	vand.u32 $0x7, v46;
	v16 =	vmovc v27;
	v36 =	vld.idx.msk [tilespmem:v43+s18+$0x0], $0xffff;
	v43 =	vor.u32 v4, v27  }
.Ltmp5:
0x1b4: {  	v30 =	vor.u32 v28, v49;
	v27 =	vld.idx.msk [tilespmem:v32+s18+$0x0], $0xffff;
	v32 =	vadd.f32 v31, v9;
	[tilespmem:v20+s29+$0x0] =	vst.idx.msk $0xffff, v26;
	(pc) =	sbr.rel @p0 .LBB2_9-.Ltmp5, $4  }
0x1b5: {  	v37 =	vor.u32 v1, v30;
	v28 =	vor.u32 v4, v30;
	[tilespmem:v40+s29+$0x0] =	vst.idx.msk $0xffff, v34;
	v31 =	vld.idx.msk [tilespmem:v18+s18+$0x0], $0xffff  }
0x1b6: {  	v38 =	vor.u32 v3, v19;
	v40 =	vadd.f32 v33, v14;
	v35 =	vld.idx.msk [tilespmem:v45+s18+$0x0], $0xffff;
	[tilespmem:v48+s29+$0x0] =	vst.idx.msk $0xffff, v32  }
0x1b7: {  	v26 =	vor.u32 v5, v39;
	v33 =	vor.u32 v8, v25;
	v18 =	vmovc v39;
	v32 =	vadd.f32 v47, v9  }
0x1b8: {  	v20 =	vmov v42;
	v34 =	vor.u32 v5, v44;
	v39 =	vadd.f32 v41, v11;
	[tilespmem:v43+s29+$0x0] =	vst.idx.msk $0xffff, v40  }
0x1b9: {  	_ =	sdelay $0x3  }
0x1ba: {  	[tilespmem:v37+s29+$0x0] =	vst.idx.msk $0xffff, v39  }
0x1bb: {  	v11 =	vld.idx.msk [tilespmem:v38+s18+$0x0], $0xffff  }
0x1bc: {  	v52 =	vor.u32 v4, v20;
	_ =	sdelay $0x1  }
0x1bd: {  	v25 =	vor.u32 v5, v19  }
0x1be: {  	v35 =	vadd.f32 v35, v14  }
0x1bf: {  	v11 =	vadd.f32 v11, v14  }
0x1c0: {  	v53 =	vadd.f32 v36, v14;
	v34 =	vld.idx.msk [tilespmem:v34+s18+$0x0], $0xffff;
	[tilespmem:v52+s29+$0x0] =	vst.idx.msk $0xffff, v35  }
0x1c1: {  	v55 =	vld.idx.msk [tilespmem:v26+s18+$0x0], $0xffff;
	[tilespmem:v28+s29+$0x0] =	vst.idx.msk $0xffff, v11  }
0x1c2: {  	v54 =	vor.u32 v6, v16;
	[tilespmem:v22+s29+$0x0] =	vst.idx.msk $0xffff, v53;
	v11 =	vld.idx.msk [tilespmem:v25+s18+$0x0], $0xffff  }
0x1c3: {  	v58 =	vor.u32 v6, v20;
	v22 =	vld.idx.msk [tilespmem:v29+s18+$0x0], $0xffff  }
0x1c4: {  	v56 =	vor.u32 v6, v30  }
0x1c5: {  	v17 =	vor.u32 v6, v17;
	v18 =	vor.u32 v7, v18;
	v59 =	vadd.f32 v34, v10  }
0x1c6: {  	v57 =	vor.u32 v7, v19;
	v14 =	vadd.f32 v55, v10  }
0x1c7: {  	v15 =	vor.u32 v7, v15;
	[tilespmem:v54+s29+$0x0] =	vst.idx.msk $0xffff, v59;
	v11 =	vadd.f32 v11, v10  }
0x1c8: {  	v21 =	vld.idx.msk [tilespmem:v21+s18+$0x0], $0xffff;
	[tilespmem:v58+s29+$0x0] =	vst.idx.msk $0xffff, v14;
	v10 =	vadd.f32 v22, v10  }
0x1c9: {  	[tilespmem:v56+s29+$0x0] =	vst.idx.msk $0xffff, v11  }
0x1ca: {  	v14 =	vld.idx.msk [tilespmem:v18+s18+$0x0], $0xffff;
	[tilespmem:v17+s29+$0x0] =	vst.idx.msk $0xffff, v10;
	v10 =	vor.u32 v8, v16  }
0x1cb: {  	v11 =	vld.idx.msk [tilespmem:v57+s18+$0x0], $0xffff  }
0x1cc: {  	v62 =	vadd.f32 v27, v9;
	v15 =	vld.idx.msk [tilespmem:v15+s18+$0x0], $0xffff  }
0x1cd: {  	v61 =	vor.u32 v8, v30;
	[tilespmem:v33+s29+$0x0] =	vst.idx.msk $0xffff, v32;
	v63 =	vadd.f32 v21, v9  }
0x1ce: {  	v60 =	vadd.f32 v31, v9;
	[tilespmem:v13+s29+$0x0] =	vst.idx.msk $0xffff, v62  }
0x1cf: {  	[tilespmem:v10+s29+$0x0] =	vst.idx.msk $0xffff, v63;
	v10 =	vadd.f32 v14, v9  }
.Ltmp6:
0x1d0: {  	s3 =	sshll.u32 s5, $0x12;
	[tilespmem:v12+s29+$0x0] =	vst.idx.msk $0xffff, v60;
	v11 =	vadd.f32 v11, v9;
	(pc) =	sbr.rel @p1 .LBB2_12-.Ltmp6, $4  }
0x1d1: {  	s3 =	sor.u32 s7, s3;
	v9 =	vadd.f32 v15, v9;
	[tilespmem:v23+s29+$0x0] =	vst.idx.msk $0xffff, v10  }
0x1d2: {  	s3 =	sshrl.u32 s3, $0x3;
	[tilespmem:v61+s29+$0x0] =	vst.idx.msk $0xffff, v11  }
0x1d3: {  	s3 =	sadd.s32 s2, s3;
	[tilespmem:v24+s29+$0x0] =	vst.idx.msk $0xffff, v9  }
0x1d4: {  	[hbm4b:s3+s21] =	stream.strided.scatter [tilespmem:s29], [sflag:$0x8], $0x2000, s22, s21, $0x38;
	[tilespmem:$0x19600] =	vst v63  }
.Ltmp7:
0x1d5: {  	(pc) =	sbr.rel .LBB2_2-.Ltmp7, $4  }
0x1d6: {  	s3 =	sshll.u32 s12, $0x9  }
0x1d7: {  	s3 =	sand.u32 $0x3FFFFE00, s3  }
0x1d8: {  	s12 =	sadd.s32 $0x1, s12;
	s3 =	sadd.s32 $0x380, s3  }
0x1d9: {  	[tilespmem:s18], [sflag:$0x4] =	stream.indirect.gather [hbm4b:s4+s9], $0x40, s3, s9, $0xb8;
	[tilespmem:$0x19600] =	vst v63  }
.LBB2_13:
0x1da: {  	_ =	sfence.sel $0x180000  }
0x1db: {  	[bflag:$0x0] =	sbarrier.arrive $0xFFFF  }
0x1dc: {  	_ =	strace $0x90000047  }
0x1dd: {  	s0 =	stileid.u32;
	[bflag:$0x2] =	sbarrier.arrive $0xFFFF  }
0x1de: {  	p0 =	sne.s32 s0, $0x0;
	s0 =	rddreg [dreg:$0x2]  }
0x1df: {  	s0 =	sadd.s32 @!p0 $0x100000, s0  }
0x1e0: {  	[sflag:s0] =	ssyncadd.tile.s32 @!p0 $0x1;
	_ =	shalt  }
.Lfunc_end2:
_tile_overlayer_lowered:
.L_overlay_start_2:
0x1e1: {  	(tag) =	ssettag $0x2  }
0x1e2: {  	s0 =	rddreg [dreg:$0x0];
	s2 =	stileid.u32  }
0x1e3: {  	s1 =	rddreg [dreg:$0x1];
	p0 =	sne.s32 s2, $0x0  }
0x1e4: {  	s3 =	rddreg [dreg:$0x2];
	[bflag:$0x3] =	sbarrier.arrive $0xFFFF;
	s2 =	simm.s32 @!p0 $0x1C09  }
0x1e5: {  	[timem:s3], [sflag:s2] =	dma.local @!p0 [hbm:s0], s1  }
0x1e6: {  	s0 =	simm.s32 @!p0 $0x9  }
0x1e7: {  	_ =	swait.ge @!p0 [sflag:s0], s1  }
0x1e8: {  	s1 =	ssub.s32 @!p0 $0x0, s1;
	[sflag:s0] =	ssyncset.done @!p0 $0x0  }
0x1e9: {  	[sflag:s0] =	ssyncadd.s32 @!p0 s1  }
0x1ea: {  	[bflag:$0x3] =	sbarrier.arrive $0xFFFF  }
0x1eb: {  	_ =	shalt  }

</sc_bundles>
